<compile_context>
chip_gen: v7x
topology: tpu7x:2x2x1
jax: 0.10.2.dev20260603
libtpu: 0.0.44.dev20260713+nightly
codegen_flags: <defaults>
</compile_context>

<pallas_src>
import jax
import jax.numpy as jnp
from jax import lax
from jax.experimental import pallas as pl
from jax.experimental.pallas import tpu as pltpu
from jax.experimental.pallas import tpu_sc as plsc

N_NODES = 10000
N_EDGES = 320000
N_GRAPHS = 64
D = 128

NC = 2
NS = 16
NW = NC * NS
EPW = N_EDGES // NW
CH = 2560
NCHUNK = 4
HALF = 2560
IDX_N = 2 * HALF
STRIDE = 10240
C_SIZE = (N_GRAPHS + 1) * STRIDE
S_SIZE = C_SIZE + 128
ZONE = C_SIZE // NS
ZCHUNK = 8320


def _sc_body(ei_hbm, batch_hbm, out_hbm, deg_hbm,
             hist_sh, sd0_v, sd1_v, batch_v,
             idx0_v, idx1_v, ones_v, zb_v, zsem, ssem):
    c = lax.axis_index("c")
    s = lax.axis_index("s")
    wid = s * NC + c
    off0 = wid * EPW
    wstart = jnp.minimum(off0 - off0 % 128, N_EDGES - NCHUNK * CH)
    skew = off0 - wstart

    def _fill_z(i, _):
        zb_v[pl.ds(i * 16, 16)] = jnp.zeros((16,), jnp.float32)
        return _
    lax.fori_loop(0, ZCHUNK // 16, _fill_z, None)
    def _fill_o(i, _):
        ones_v[pl.ds(i * 16, 16)] = jnp.ones((16,), jnp.float32)
        return _
    lax.fori_loop(0, IDX_N // 16, _fill_o, None)

    nzero = ZONE // ZCHUNK
    def _zero(k, _):
        pltpu.async_copy(zb_v, hist_sh.at[pl.ds(s * ZONE + k * ZCHUNK, ZCHUNK)],
                         zsem)
        return _
    lax.fori_loop(0, nzero, _zero, None)

    pltpu.sync_copy(batch_hbm, batch_v)
    pad_idx = jnp.full((16,), C_SIZE, jnp.int32) + wid * 4

    bufs = [(sd0_v, idx0_v), (sd1_v, idx1_v)]

    def _stage(k, b):
        sd = bufs[b][0]
        pltpu.sync_copy(
            ei_hbm.at[:, pl.ds(pl.multiple_of(wstart + k * CH, 128), CH)], sd)

    def _compute(k, b):
        sd = bufs[b][0]
        ibuf = bufs[b][1]
        lo = jnp.where(k == 0, skew // 16, 0)
        hi = jnp.minimum(HALF // 16, (skew + EPW - k * CH) // 16)
        zrow = jnp.zeros((16,), jnp.int32)
        orow = jnp.ones((16,), jnp.int32)
        lane = lax.iota(jnp.int32, 16)
        def _index(i, _):
            col = i * 16 + lane
            sv = plsc.load_gather(sd, [zrow, col])
            dv = plsc.load_gather(sd, [orow, col])
            gv = plsc.load_gather(batch_v, [sv])
            ibuf[pl.ds(i * 16, 16)] = sv
            ibuf[pl.ds(HALF + i * 16, 16)] = (gv + 1) * STRIDE + dv
            return _
        lax.fori_loop(lo, hi, _index, None)
        def _fill_pad(i, _):
            ibuf[pl.ds(i * 16, 16)] = pad_idx
            ibuf[pl.ds(HALF + i * 16, 16)] = pad_idx
            return _
        lax.fori_loop(0, lo, _fill_pad, None)
        lax.fori_loop(hi, HALF // 16, _fill_pad, None)

    _stage(0, 0)
    _compute(0, 0)

    def _drain_z(k, _):
        pltpu.make_async_copy(
            zb_v, hist_sh.at[pl.ds(s * ZONE + k * ZCHUNK, ZCHUNK)], zsem).wait()
        return _
    lax.fori_loop(0, nzero, _drain_z, None)
    plsc.subcore_barrier()

    def _scatter_start(b):
        ibuf = bufs[b][1]
        pltpu.async_copy(ones_v, hist_sh.at[ibuf], ssem, add=True)

    def _scatter_wait(b):
        ibuf = bufs[b][1]
        pltpu.make_async_copy(ones_v, hist_sh.at[ibuf], ssem).wait()

    def _step(k, b):
        _stage(k + 1, 1 - b)
        _compute(k + 1, 1 - b)
        _scatter_start(1 - b)
        _scatter_wait(b)

    _scatter_start(0)
    def _loop(k, _):
        @pl.when(k % 2 == 0)
        def _():
            _step(k, 0)
        @pl.when(k % 2 == 1)
        def _():
            _step(k, 1)
        return _
    lax.fori_loop(0, NCHUNK - 1, _loop, None)
    _scatter_wait((NCHUNK - 1) % 2)

    plsc.subcore_barrier()

    for j in range(N_GRAPHS // NS):
        row = s * (N_GRAPHS // NS) + j
        pltpu.sync_copy(hist_sh.at[pl.ds((1 + row) * STRIDE, STRIDE)],
                        out_hbm.at[c, row])
    @pl.when(s == 0)
    def _():
        pltpu.sync_copy(hist_sh.at[pl.ds(0, STRIDE)], deg_hbm.at[c, 0])


@jax.jit
def _sc_build_counts(ei, batch):
    mesh = plsc.VectorSubcoreMesh(core_axis_name="c", subcore_axis_name="s")
    f = pl.kernel(
        _sc_body,
        out_type=(jax.ShapeDtypeStruct((NC, N_GRAPHS, STRIDE), jnp.float32),
                  jax.ShapeDtypeStruct((NC, 1, STRIDE), jnp.float32)),
        mesh=mesh,
        compiler_params=pltpu.CompilerParams(needs_layout_passes=False),
        scratch_types=[
            pltpu.VMEM_SHARED((S_SIZE,), jnp.float32),
            pltpu.VMEM((2, CH), jnp.int32),
            pltpu.VMEM((2, CH), jnp.int32),
            pltpu.VMEM((N_NODES,), jnp.int32),
            pltpu.VMEM((IDX_N,), jnp.int32),
            pltpu.VMEM((IDX_N,), jnp.int32),
            pltpu.VMEM((IDX_N,), jnp.float32),
            pltpu.VMEM((ZCHUNK,), jnp.float32),
            pltpu.SemaphoreType.DMA,
            pltpu.SemaphoreType.DMA,
        ],
    )
    return f(ei, batch)


def _tc_body(P_ref, D_ref, b_ref, x_ref,
             W0_ref, b0_ref, W1_ref, b1_ref, W2_ref, b2_ref, o_ref):
    hi = lax.Precision.DEFAULT
    deg = D_ref[0, 0, :N_NODES] + D_ref[1, 0, :N_NODES]
    gids = lax.broadcasted_iota(jnp.int32, (N_GRAPHS, N_NODES), 0)
    Csrc = jnp.where(b_ref[...] == gids, deg[None, :], 0.0)
    Adst = P_ref[0] + P_ref[1]
    Ysrc = lax.dot_general(Csrc, x_ref[...], (((1,), (0,)), ((), ())),
                           precision=hi)
    Ydst = lax.dot_general(Adst[:, :N_NODES], x_ref[...],
                           (((1,), (0,)), ((), ())), precision=hi)
    Y = jnp.concatenate([Ysrc, Ydst], axis=0)
    rs = jnp.sum(Csrc, axis=1, keepdims=True)
    r = jnp.concatenate([rs, jnp.sum(Adst, axis=1, keepdims=True)], axis=0)
    P1 = lax.dot_general(Y, W0_ref[...], (((1,), (1,)), ((), ())), precision=hi) + r * b0_ref[...]
    P2 = lax.dot_general(P1, W1_ref[...], (((1,), (1,)), ((), ())), precision=hi) + r * b1_ref[...]
    P3 = lax.dot_general(P2, W2_ref[...], (((1,), (1,)), ((), ())), precision=hi) + r * b2_ref[...]
    denom = jnp.maximum(rs, 1.0)
    out = jnp.concatenate(
        [P1[:N_GRAPHS], P1[N_GRAPHS:], P2[:N_GRAPHS], P2[N_GRAPHS:],
         P3[:N_GRAPHS], P3[N_GRAPHS:]], axis=1)
    o_ref[...] = out / denom


@jax.jit
def _tc_finish(P, Dg, batch2d, x, W0, b0, W1, b1, W2, b2):
    return pl.pallas_call(
        _tc_body,
        out_shape=jax.ShapeDtypeStruct((N_GRAPHS, 6 * D), jnp.float32),
    )(P, Dg, batch2d, x, W0, b0.reshape(1, D), W1, b1.reshape(1, D),
      W2, b2.reshape(1, D))


def kernel(x, edge_index, batch, W0, b0, W1, b1, W2, b2):
    batch32 = batch.astype(jnp.int32)
    P, Dg = _sc_build_counts(edge_index.astype(jnp.int32), batch32)
    return _tc_finish(P, Dg, batch32.reshape(1, N_NODES), x, W0, b0, W1, b1, W2, b2)

# --- scband reference (transcript-rebuilt; emitter-appended) ---
"""Pipeline reference for scband-paired-simplified-gcn-2001454760607 (READ-ONLY COPY).

The authoritative reference and input builder live on the scoring server;
editing this copy changes nothing except your own understanding.
"""

import jax, jax.numpy as jnp
import numpy as np

N_NODES = 10000
N_EDGES = 320000
D_IN = 128
D_H = 128
N_LAYERS = 3
N_GRAPHS = 64


def setup_inputs(seed: int = 0) -> dict:
    key = jax.random.key(seed)
    ks = jax.random.split(key, 12)
    x = jax.random.normal(ks[0], (N_NODES, D_IN), dtype=jnp.float32)
    edge_index = jax.random.randint(ks[1], (2, N_EDGES), 0, N_NODES, dtype=jnp.int64)
    batch = jnp.sort(jax.random.randint(ks[2], (N_NODES,), 0, N_GRAPHS, dtype=jnp.int64))
    # torch.nn.Linear weights: [out_features, in_features], bias [out_features]
    scale0 = 1.0 / np.sqrt(D_IN)
    scale = 1.0 / np.sqrt(D_H)
    W0 = jax.random.uniform(ks[3], (D_H, D_IN), jnp.float32, -scale0, scale0)
    b0 = jax.random.uniform(ks[4], (D_H,), jnp.float32, -scale0, scale0)
    W1 = jax.random.uniform(ks[5], (D_H, D_H), jnp.float32, -scale, scale)
    b1 = jax.random.uniform(ks[6], (D_H,), jnp.float32, -scale, scale)
    W2 = jax.random.uniform(ks[7], (D_H, D_H), jnp.float32, -scale, scale)
    b2 = jax.random.uniform(ks[8], (D_H,), jnp.float32, -scale, scale)
    return {"x": x, "edge_index": edge_index, "batch": batch,
            "W0": W0, "b0": b0, "W1": W1, "b1": b1, "W2": W2, "b2": b2}


def reference(x, edge_index, batch, W0, b0, W1, b1, W2, b2):
    # Faithful to the torch forward: note that self.activation and self.bns
    # are constructed but never used in forward, so they are omitted here.
    src = edge_index[0]
    dst = edge_index[1]
    edge_batch = batch[src]
    ones = jnp.ones((src.shape[0],), dtype=jnp.float32)
    counts = jax.ops.segment_sum(ones, edge_batch, num_segments=N_GRAPHS)
    denom = jnp.maximum(counts, 1.0)[:, None]
    z = x
    g = []
    for (W, b) in ((W0, b0), (W1, b1), (W2, b2)):
        z = z @ W.T + b
        edge_emb = jnp.concatenate([z[src], z[dst]], axis=1)
        sums = jax.ops.segment_sum(edge_emb, edge_batch, num_segments=N_GRAPHS)
        g.append(sums / denom)  # global_mean_pool over edges per graph
    return jnp.concatenate(g, axis=1)

if __name__ == "__main__":
    import jax
    _d = setup_inputs()
    print(jax.jit(kernel)(*tuple(_d.values())))

</pallas_src>

<mosaic_0001>
#map = affine_map<(d0, d1) -> (0, 0)>
#map1 = affine_map<(d0, d1) -> (0)>
#map2 = affine_map<(d0, d1) -> (0, 0, 0)>
module attributes {stable_mosaic.version = 14 : i64} {
  func.func @_sc_body(%arg0: i32, %arg1: i32, %arg2: memref<2x320000xi32, #tpu.memory_space<hbm>>, %arg3: memref<10000xi32, #tpu.memory_space<hbm>>, %arg4: memref<2x64x10240xf32, #tpu.memory_space<hbm>>, %arg5: memref<2x1x10240xf32, #tpu.memory_space<hbm>>, %arg6: memref<665728xf32, #tpu.memory_space<vmem_shared>>, %arg7: memref<2x2560xi32, #tpu.memory_space<vmem>>, %arg8: memref<2x2560xi32, #tpu.memory_space<vmem>>, %arg9: memref<10000xi32, #tpu.memory_space<vmem>>, %arg10: memref<5120xi32, #tpu.memory_space<vmem>>, %arg11: memref<5120xi32, #tpu.memory_space<vmem>>, %arg12: memref<5120xf32, #tpu.memory_space<vmem>>, %arg13: memref<8320xf32, #tpu.memory_space<vmem>>, %arg14: memref<!tpu.dma_semaphore, #tpu.memory_space<semaphore_mem>>, %arg15: memref<!tpu.dma_semaphore, #tpu.memory_space<semaphore_mem>>) attributes {dimension_semantics = [#tpu.dimension_semantics<core_parallel>, #tpu.dimension_semantics<subcore_parallel>], iteration_bounds = array<i64: 2, 16>, scalar_prefetch = 0 : i64, scratch_operands = 10 : i64, tpu.core_type = #tpu.core_type<sc_vector_subcore>, window_params = [{transform_indices = #map}, {transform_indices = #map1}, {transform_indices = #map2}, {transform_indices = #map2}]} {
    %mul3A = arith.constant 2 : i32
    %mul3A_0 = arith.muli %arg1, %mul3A : i32
    %add3A = arith.addi %mul3A_0, %arg0 : i32
    %mul3A_1 = arith.constant 10000 : i32
    %mul3A_2 = arith.muli %add3A, %mul3A_1 : i32
    %jit3A = arith.constant 128 : i32
    %eq3A = arith.constant 0 : i32
    %eq3A_3 = arith.cmpi eq, %jit3A, %eq3A : i32
    %jit3A_4 = arith.constant 1 : i32
    %select_n3A = arith.select %eq3A_3, %jit3A_4, %jit3A : i32
    %rem3A = arith.remsi %mul3A_2, %select_n3A : i32
    %ne3A = arith.constant 0 : i32
    %ne3A_5 = arith.cmpi ne, %rem3A, %ne3A : i32
    %lt3A = arith.constant 0 : i32
    %lt3A_6 = arith.cmpi slt, %rem3A, %lt3A : i32
    %lt3A_7 = arith.constant 0 : i32
    %lt3A_8 = arith.cmpi slt, %select_n3A, %lt3A_7 : i32
    %ne3A_9 = arith.xori %lt3A_6, %lt3A_8 : i1
    %and3A = arith.andi %ne3A_9, %ne3A_5 : i1
    %add3A_10 = arith.addi %rem3A, %select_n3A : i32
    %select_n3A_11 = arith.select %and3A, %add3A_10, %rem3A : i32
    %sub3A = arith.subi %mul3A_2, %select_n3A_11 : i32
    %min3A = arith.constant 309760 : i32
    %min3A_12 = arith.minsi %sub3A, %min3A : i32
    %sub3A_13 = arith.subi %mul3A_2, %min3A_12 : i32
    %scan3A = arith.constant 0 : i32
    %scan3A_14 = arith.constant 520 : i32
    %scan3A_15 = arith.addi %scan3A, %scan3A_14 : i32
    %scan3A_16 = arith.constant 1 : i32
    scf.for %scan3A_167 = %scan3A to %scan3A_15 step %scan3A_16  : i32 {
      %broadcast_in_dim3A_168 = arith.constant 0.000000e+00 : f32
      %broadcast_in_dim3A_169 = vector.broadcast %broadcast_in_dim3A_168 : f32 to vector<16xf32>
      %mul3A_170 = arith.constant 16 : i32
      %mul3A_171 = arith.muli %scan3A_167, %mul3A_170 : i32
      %swap3A = arith.index_cast %mul3A_171 : i32 to index
      %swap3A_172 = tpu.vector_load %arg13[%swap3A] {strides = array<i32>} : memref<8320xf32, #tpu.memory_space<vmem>>, vector<16xf32>,
      tpu.vector_store %arg13[%swap3A], %broadcast_in_dim3A_169 {strides = array<i32>} : memref<8320xf32, #tpu.memory_space<vmem>>, vector<16xf32>,
    }
    %scan3A_17 = arith.constant 520 : i32
    %scan3A_18 = arith.constant 0 : i32
    %scan3A_19 = arith.constant 320 : i32
    %scan3A_20 = arith.addi %scan3A_18, %scan3A_19 : i32
    %scan3A_21 = arith.constant 1 : i32
    scf.for %scan3A_167 = %scan3A_18 to %scan3A_20 step %scan3A_21  : i32 {
      %broadcast_in_dim3A_168 = arith.constant 1.000000e+00 : f32
      %broadcast_in_dim3A_169 = vector.broadcast %broadcast_in_dim3A_168 : f32 to vector<16xf32>
      %mul3A_170 = arith.constant 16 : i32
      %mul3A_171 = arith.muli %scan3A_167, %mul3A_170 : i32
      %swap3A = arith.index_cast %mul3A_171 : i32 to index
      %swap3A_172 = tpu.vector_load %arg12[%swap3A] {strides = array<i32>} : memref<5120xf32, #tpu.memory_space<vmem>>, vector<16xf32>,
      tpu.vector_store %arg12[%swap3A], %broadcast_in_dim3A_169 {strides = array<i32>} : memref<5120xf32, #tpu.memory_space<vmem>>, vector<16xf32>,
    }
    %scan3A_22 = arith.constant 320 : i32
    %scan3A_23 = arith.constant 0 : i32
    %scan3A_24 = arith.constant 5 : i32
    %scan3A_25 = arith.addi %scan3A_23, %scan3A_24 : i32
    %scan3A_26 = arith.constant 1 : i32
    scf.for %scan3A_167 = %scan3A_23 to %scan3A_25 step %scan3A_26  : i32 {
      %mul3A_168 = arith.constant 41600 : i32
      %mul3A_169 = arith.muli %arg1, %mul3A_168 : i32
      %mul3A_170 = arith.constant 8320 : i32
      %mul3A_171 = arith.muli %scan3A_167, %mul3A_170 : i32
      %add3A_172 = arith.addi %mul3A_169, %mul3A_171 : i32
      %dma_start3A_173 = tpu.memref_slice %arg6[%add3A_172] : memref<665728xf32, #tpu.memory_space<vmem_shared>> -> memref<8320xf32, #tpu.memory_space<vmem_shared>>
      %dma_start3A_174 = tpu.memref_slice %arg6[%add3A_172] : memref<665728xf32, #tpu.memory_space<vmem_shared>> -> memref<8320xf32, #tpu.memory_space<vmem_shared>>
      tpu.enqueue_dma source(%arg13 : memref<8320xf32, #tpu.memory_space<vmem>>) target(%dma_start3A_174 : memref<8320xf32, #tpu.memory_space<vmem_shared>>) target_semaphore(%arg14 : memref<!tpu.dma_semaphore, #tpu.memory_space<semaphore_mem>>)
    }
    %scan3A_27 = arith.constant 5 : i32
    "tpu.region"() ({
      %run_scoped3A = tpu.sem_alloc : memref<!tpu.dma_semaphore, #tpu.memory_space<semaphore_mem>>
      tpu.enqueue_dma source(%arg3 : memref<10000xi32, #tpu.memory_space<hbm>>) target(%arg9 : memref<10000xi32, #tpu.memory_space<vmem>>) target_semaphore(%run_scoped3A : memref<!tpu.dma_semaphore, #tpu.memory_space<semaphore_mem>>)
      tpu.wait_dma2 semaphore(%run_scoped3A : memref<!tpu.dma_semaphore, #tpu.memory_space<semaphore_mem>>) src(%arg3 : memref<10000xi32, #tpu.memory_space<hbm>>) dst(%arg9 : memref<10000xi32, #tpu.memory_space<vmem>>)
      tpu.yield
    }) : () -> ()
    %broadcast_in_dim3A = arith.constant 665600 : i32
    %broadcast_in_dim3A_28 = vector.broadcast %broadcast_in_dim3A : i32 to vector<16xi32>
    %mul3A_29 = arith.constant 4 : i32
    %mul3A_30 = arith.muli %add3A, %mul3A_29 : i32
    %add3A_31 = vector.broadcast %mul3A_30 : i32 to vector<16xi32>
    %add3A_32 = arith.addi %broadcast_in_dim3A_28, %add3A_31 : vector<16xi32>
    %add3A_33 = arith.constant 0 : i32
    %add3A_34 = arith.addi %min3A_12, %add3A_33 : i32
    %multiple_of3A = tpu.assume_multiple %add3A_34, 128 : i32
    "tpu.region"() ({
      %run_scoped3A = tpu.sem_alloc : memref<!tpu.dma_semaphore, #tpu.memory_space<semaphore_mem>>
      %dma_start3A_167 = arith.constant 0 : i32
      %dma_start3A_168 = tpu.memref_slice %arg2[%dma_start3A_167, %multiple_of3A] : memref<2x320000xi32, #tpu.memory_space<hbm>> -> memref<2x2560xi32, #tpu.memory_space<hbm>>
      %dma_start3A_169 = arith.constant 0 : i32
      %dma_start3A_170 = tpu.memref_slice %arg2[%dma_start3A_169, %multiple_of3A] : memref<2x320000xi32, #tpu.memory_space<hbm>> -> memref<2x2560xi32, #tpu.memory_space<hbm>>
      tpu.enqueue_dma source(%dma_start3A_170 : memref<2x2560xi32, #tpu.memory_space<hbm>>) target(%arg7 : memref<2x2560xi32, #tpu.memory_space<vmem>>) target_semaphore(%run_scoped3A : memref<!tpu.dma_semaphore, #tpu.memory_space<semaphore_mem>>)
      %dma_wait3A_171 = arith.constant 0 : i32
      %dma_wait3A_172 = tpu.memref_slice %arg2[%dma_wait3A_171, %multiple_of3A] : memref<2x320000xi32, #tpu.memory_space<hbm>> -> memref<2x2560xi32, #tpu.memory_space<hbm>>
      %dma_wait3A_173 = arith.constant 0 : i32
      %dma_wait3A_174 = tpu.memref_slice %arg2[%dma_wait3A_173, %multiple_of3A] : memref<2x320000xi32, #tpu.memory_space<hbm>> -> memref<2x2560xi32, #tpu.memory_space<hbm>>
      tpu.wait_dma2 semaphore(%run_scoped3A : memref<!tpu.dma_semaphore, #tpu.memory_space<semaphore_mem>>) src(%dma_wait3A_174 : memref<2x2560xi32, #tpu.memory_space<hbm>>) dst(%arg7 : memref<2x2560xi32, #tpu.memory_space<vmem>>)
      tpu.yield
    }) : () -> ()
    %jit3A_35 = arith.constant 16 : i32
    %div3A = arith.divsi %sub3A_13, %jit3A_35 : i32
    %sign3A = arith.constant 0 : i32
    %sign3A_36 = arith.cmpi sgt, %sub3A_13, %sign3A : i32
    %sign3A_37 = arith.extui %sign3A_36 : i1 to i32
    %sign3A_38 = arith.constant 0 : i32
    %sign3A_39 = arith.cmpi slt, %sub3A_13, %sign3A_38 : i32
    %sign3A_40 = arith.extui %sign3A_39 : i1 to i32
    %sign3A_41 = arith.subi %sign3A_37, %sign3A_40 : i32
    %sign3A_42 = arith.constant 0 : i32
    %sign3A_43 = arith.cmpi sgt, %jit3A_35, %sign3A_42 : i32
    %sign3A_44 = arith.extui %sign3A_43 : i1 to i32
    %sign3A_45 = arith.constant 0 : i32
    %sign3A_46 = arith.cmpi slt, %jit3A_35, %sign3A_45 : i32
    %sign3A_47 = arith.extui %sign3A_46 : i1 to i32
    %sign3A_48 = arith.subi %sign3A_44, %sign3A_47 : i32
    %ne3A_49 = arith.cmpi ne, %sign3A_41, %sign3A_48 : i32
    %rem3A_50 = arith.remsi %sub3A_13, %jit3A_35 : i32
    %ne3A_51 = arith.constant 0 : i32
    %ne3A_52 = arith.cmpi ne, %rem3A_50, %ne3A_51 : i32
    %and3A_53 = arith.andi %ne3A_49, %ne3A_52 : i1
    %sub3A_54 = arith.constant 1 : i32
    %sub3A_55 = arith.subi %div3A, %sub3A_54 : i32
    %select_n3A_56 = arith.select %and3A_53, %sub3A_55, %div3A : i32
    %jit3A_57 = arith.constant true
    %jit3A_58 = arith.constant 0 : i32
    %select_n3A_59 = arith.select %jit3A_57, %select_n3A_56, %jit3A_58 : i32
    %add3A_60 = arith.constant 10000 : i32
    %add3A_61 = arith.addi %sub3A_13, %add3A_60 : i32
    %sub3A_62 = arith.constant 0 : i32
    %sub3A_63 = arith.subi %add3A_61, %sub3A_62 : i32
    %jit3A_64 = arith.constant 16 : i32
    %div3A_65 = arith.divsi %sub3A_63, %jit3A_64 : i32
    %sign3A_66 = arith.constant 0 : i32
    %sign3A_67 = arith.cmpi sgt, %sub3A_63, %sign3A_66 : i32
    %sign3A_68 = arith.extui %sign3A_67 : i1 to i32
    %sign3A_69 = arith.constant 0 : i32
    %sign3A_70 = arith.cmpi slt, %sub3A_63, %sign3A_69 : i32
    %sign3A_71 = arith.extui %sign3A_70 : i1 to i32
    %sign3A_72 = arith.subi %sign3A_68, %sign3A_71 : i32
    %sign3A_73 = arith.constant 0 : i32
    %sign3A_74 = arith.cmpi sgt, %jit3A_64, %sign3A_73 : i32
    %sign3A_75 = arith.extui %sign3A_74 : i1 to i32
    %sign3A_76 = arith.constant 0 : i32
    %sign3A_77 = arith.cmpi slt, %jit3A_64, %sign3A_76 : i32
    %sign3A_78 = arith.extui %sign3A_77 : i1 to i32
    %sign3A_79 = arith.subi %sign3A_75, %sign3A_78 : i32
    %ne3A_80 = arith.cmpi ne, %sign3A_72, %sign3A_79 : i32
    %rem3A_81 = arith.remsi %sub3A_63, %jit3A_64 : i32
    %ne3A_82 = arith.constant 0 : i32
    %ne3A_83 = arith.cmpi ne, %rem3A_81, %ne3A_82 : i32
    %and3A_84 = arith.andi %ne3A_80, %ne3A_83 : i1
    %sub3A_85 = arith.constant 1 : i32
    %sub3A_86 = arith.subi %div3A_65, %sub3A_85 : i32
    %select_n3A_87 = arith.select %and3A_84, %sub3A_86, %div3A_65 : i32
    %min3A_88 = arith.constant 160 : i32
    %min3A_89 = arith.minsi %min3A_88, %select_n3A_87 : i32
    %broadcast_in_dim3A_90 = arith.constant 0 : i32
    %broadcast_in_dim3A_91 = vector.broadcast %broadcast_in_dim3A_90 : i32 to vector<16xi32>
    %broadcast_in_dim3A_92 = arith.constant 1 : i32
    %broadcast_in_dim3A_93 = vector.broadcast %broadcast_in_dim3A_92 : i32 to vector<16xi32>
    %iota3A = tpu.iota {dimensions = array<i32: 0>} : vector<16xi32>
    %while3A = arith.subi %min3A_89, %select_n3A_59 : i32
    %while3A_94 = arith.addi %select_n3A_59, %while3A : i32
    %while3A_95 = arith.constant 1 : i32
    %while3A_96 = arith.divsi %while3A, %while3A_95 : i32
    %while3A_97 = arith.muli %while3A_96, %while3A_95 : i32
    %while3A_98 = arith.addi %select_n3A_59, %while3A_97 : i32
    %while3A_99 = arith.constant 1 : i32
    scf.for %while3A_167 = %select_n3A_59 to %while3A_98 step %while3A_99  : i32 {
      %mul3A_168 = arith.constant 16 : i32
      %mul3A_169 = arith.muli %while3A_167, %mul3A_168 : i32
      %add3A_170 = vector.broadcast %mul3A_169 : i32 to vector<16xi32>
      %add3A_171 = arith.addi %add3A_170, %iota3A : vector<16xi32>
      %gather3A = tpu.vector_load_idx %arg7[%broadcast_in_dim3A_91, %add3A_171] : memref<2x2560xi32, #tpu.memory_space<vmem>>[vector<16xi32>, vector<16xi32>], vector<16xi32>,
      %gather3A_172 = tpu.vector_load_idx %arg7[%broadcast_in_dim3A_93, %add3A_171] : memref<2x2560xi32, #tpu.memory_space<vmem>>[vector<16xi32>, vector<16xi32>], vector<16xi32>,
      %gather3A_173 = tpu.vector_load_idx %arg9[%gather3A] : memref<10000xi32, #tpu.memory_space<vmem>>[vector<16xi32>], vector<16xi32>,
      %mul3A_174 = arith.constant 16 : i32
      %mul3A_175 = arith.muli %while3A_167, %mul3A_174 : i32
      %swap3A = arith.index_cast %mul3A_175 : i32 to index
      %swap3A_176 = tpu.vector_load %arg10[%swap3A] {strides = array<i32>} : memref<5120xi32, #tpu.memory_space<vmem>>, vector<16xi32>,
      tpu.vector_store %arg10[%swap3A], %gather3A {strides = array<i32>} : memref<5120xi32, #tpu.memory_space<vmem>>, vector<16xi32>,
      %add3A_177 = arith.constant 1 : i32
      %add3A_178 = vector.broadcast %add3A_177 : i32 to vector<16xi32>
      %add3A_179 = arith.addi %gather3A_173, %add3A_178 : vector<16xi32>
      %mul3A_180 = arith.constant 10240 : i32
      %mul3A_181 = vector.broadcast %mul3A_180 : i32 to vector<16xi32>
      %mul3A_182 = arith.muli %add3A_179, %mul3A_181 : vector<16xi32>
      %add3A_183 = arith.addi %mul3A_182, %gather3A_172 : vector<16xi32>
      %mul3A_184 = arith.constant 16 : i32
      %mul3A_185 = arith.muli %while3A_167, %mul3A_184 : i32
      %add3A_186 = arith.constant 2560 : i32
      %add3A_187 = arith.addi %add3A_186, %mul3A_185 : i32
      %swap3A_188 = arith.index_cast %add3A_187 : i32 to index
      %swap3A_189 = tpu.vector_load %arg10[%swap3A_188] {strides = array<i32>} : memref<5120xi32, #tpu.memory_space<vmem>>, vector<16xi32>,
      tpu.vector_store %arg10[%swap3A_188], %add3A_183 {strides = array<i32>} : memref<5120xi32, #tpu.memory_space<vmem>>, vector<16xi32>,
    }
    %while3A_100 = arith.constant 1 : i32
    scf.for %while3A_167 = %while3A_98 to %while3A_94 step %while3A_100  : i32 {
      %mul3A_168 = arith.constant 16 : i32
      %mul3A_169 = arith.muli %while3A_167, %mul3A_168 : i32
      %add3A_170 = vector.broadcast %mul3A_169 : i32 to vector<16xi32>
      %add3A_171 = arith.addi %add3A_170, %iota3A : vector<16xi32>
      %gather3A = tpu.vector_load_idx %arg7[%broadcast_in_dim3A_91, %add3A_171] : memref<2x2560xi32, #tpu.memory_space<vmem>>[vector<16xi32>, vector<16xi32>], vector<16xi32>,
      %gather3A_172 = tpu.vector_load_idx %arg7[%broadcast_in_dim3A_93, %add3A_171] : memref<2x2560xi32, #tpu.memory_space<vmem>>[vector<16xi32>, vector<16xi32>], vector<16xi32>,
      %gather3A_173 = tpu.vector_load_idx %arg9[%gather3A] : memref<10000xi32, #tpu.memory_space<vmem>>[vector<16xi32>], vector<16xi32>,
      %mul3A_174 = arith.constant 16 : i32
      %mul3A_175 = arith.muli %while3A_167, %mul3A_174 : i32
      %swap3A = arith.index_cast %mul3A_175 : i32 to index
      %swap3A_176 = tpu.vector_load %arg10[%swap3A] {strides = array<i32>} : memref<5120xi32, #tpu.memory_space<vmem>>, vector<16xi32>,
      tpu.vector_store %arg10[%swap3A], %gather3A {strides = array<i32>} : memref<5120xi32, #tpu.memory_space<vmem>>, vector<16xi32>,
      %add3A_177 = arith.constant 1 : i32
      %add3A_178 = vector.broadcast %add3A_177 : i32 to vector<16xi32>
      %add3A_179 = arith.addi %gather3A_173, %add3A_178 : vector<16xi32>
      %mul3A_180 = arith.constant 10240 : i32
      %mul3A_181 = vector.broadcast %mul3A_180 : i32 to vector<16xi32>
      %mul3A_182 = arith.muli %add3A_179, %mul3A_181 : vector<16xi32>
      %add3A_183 = arith.addi %mul3A_182, %gather3A_172 : vector<16xi32>
      %mul3A_184 = arith.constant 16 : i32
      %mul3A_185 = arith.muli %while3A_167, %mul3A_184 : i32
      %add3A_186 = arith.constant 2560 : i32
      %add3A_187 = arith.addi %add3A_186, %mul3A_185 : i32
      %swap3A_188 = arith.index_cast %add3A_187 : i32 to index
      %swap3A_189 = tpu.vector_load %arg10[%swap3A_188] {strides = array<i32>} : memref<5120xi32, #tpu.memory_space<vmem>>, vector<16xi32>,
      tpu.vector_store %arg10[%swap3A_188], %add3A_183 {strides = array<i32>} : memref<5120xi32, #tpu.memory_space<vmem>>, vector<16xi32>,
    }
    %while3A_101 = arith.constant 0 : i32
    %while3A_102 = arith.subi %select_n3A_59, %while3A_101 : i32
    %while3A_103 = arith.addi %while3A_101, %while3A_102 : i32
    %while3A_104 = arith.constant 1 : i32
    %while3A_105 = arith.divsi %while3A_102, %while3A_104 : i32
    %while3A_106 = arith.muli %while3A_105, %while3A_104 : i32
    %while3A_107 = arith.addi %while3A_101, %while3A_106 : i32
    %while3A_108 = arith.constant 1 : i32
    scf.for %while3A_167 = %while3A_101 to %while3A_107 step %while3A_108  : i32 {
      %mul3A_168 = arith.constant 16 : i32
      %mul3A_169 = arith.muli %while3A_167, %mul3A_168 : i32
      %swap3A = arith.index_cast %mul3A_169 : i32 to index
      %swap3A_170 = tpu.vector_load %arg10[%swap3A] {strides = array<i32>} : memref<5120xi32, #tpu.memory_space<vmem>>, vector<16xi32>,
      tpu.vector_store %arg10[%swap3A], %add3A_32 {strides = array<i32>} : memref<5120xi32, #tpu.memory_space<vmem>>, vector<16xi32>,
      %mul3A_171 = arith.constant 16 : i32
      %mul3A_172 = arith.muli %while3A_167, %mul3A_171 : i32
      %add3A_173 = arith.constant 2560 : i32
      %add3A_174 = arith.addi %add3A_173, %mul3A_172 : i32
      %swap3A_175 = arith.index_cast %add3A_174 : i32 to index
      %swap3A_176 = tpu.vector_load %arg10[%swap3A_175] {strides = array<i32>} : memref<5120xi32, #tpu.memory_space<vmem>>, vector<16xi32>,
      tpu.vector_store %arg10[%swap3A_175], %add3A_32 {strides = array<i32>} : memref<5120xi32, #tpu.memory_space<vmem>>, vector<16xi32>,
    }
    %while3A_109 = arith.constant 1 : i32
    scf.for %while3A_167 = %while3A_107 to %while3A_103 step %while3A_109  : i32 {
      %mul3A_168 = arith.constant 16 : i32
      %mul3A_169 = arith.muli %while3A_167, %mul3A_168 : i32
      %swap3A = arith.index_cast %mul3A_169 : i32 to index
      %swap3A_170 = tpu.vector_load %arg10[%swap3A] {strides = array<i32>} : memref<5120xi32, #tpu.memory_space<vmem>>, vector<16xi32>,
      tpu.vector_store %arg10[%swap3A], %add3A_32 {strides = array<i32>} : memref<5120xi32, #tpu.memory_space<vmem>>, vector<16xi32>,
      %mul3A_171 = arith.constant 16 : i32
      %mul3A_172 = arith.muli %while3A_167, %mul3A_171 : i32
      %add3A_173 = arith.constant 2560 : i32
      %add3A_174 = arith.addi %add3A_173, %mul3A_172 : i32
      %swap3A_175 = arith.index_cast %add3A_174 : i32 to index
      %swap3A_176 = tpu.vector_load %arg10[%swap3A_175] {strides = array<i32>} : memref<5120xi32, #tpu.memory_space<vmem>>, vector<16xi32>,
      tpu.vector_store %arg10[%swap3A_175], %add3A_32 {strides = array<i32>} : memref<5120xi32, #tpu.memory_space<vmem>>, vector<16xi32>,
    }
    %while3A_110 = arith.constant 160 : i32
    %while3A_111 = arith.subi %while3A_110, %min3A_89 : i32
    %while3A_112 = arith.addi %min3A_89, %while3A_111 : i32
    %while3A_113 = arith.constant 1 : i32
    %while3A_114 = arith.divsi %while3A_111, %while3A_113 : i32
    %while3A_115 = arith.muli %while3A_114, %while3A_113 : i32
    %while3A_116 = arith.addi %min3A_89, %while3A_115 : i32
    %while3A_117 = arith.constant 1 : i32
    scf.for %while3A_167 = %min3A_89 to %while3A_116 step %while3A_117  : i32 {
      %mul3A_168 = arith.constant 16 : i32
      %mul3A_169 = arith.muli %while3A_167, %mul3A_168 : i32
      %swap3A = arith.index_cast %mul3A_169 : i32 to index
      %swap3A_170 = tpu.vector_load %arg10[%swap3A] {strides = array<i32>} : memref<5120xi32, #tpu.memory_space<vmem>>, vector<16xi32>,
      tpu.vector_store %arg10[%swap3A], %add3A_32 {strides = array<i32>} : memref<5120xi32, #tpu.memory_space<vmem>>, vector<16xi32>,
      %mul3A_171 = arith.constant 16 : i32
      %mul3A_172 = arith.muli %while3A_167, %mul3A_171 : i32
      %add3A_173 = arith.constant 2560 : i32
      %add3A_174 = arith.addi %add3A_173, %mul3A_172 : i32
      %swap3A_175 = arith.index_cast %add3A_174 : i32 to index
      %swap3A_176 = tpu.vector_load %arg10[%swap3A_175] {strides = array<i32>} : memref<5120xi32, #tpu.memory_space<vmem>>, vector<16xi32>,
      tpu.vector_store %arg10[%swap3A_175], %add3A_32 {strides = array<i32>} : memref<5120xi32, #tpu.memory_space<vmem>>, vector<16xi32>,
    }
    %while3A_118 = arith.constant 1 : i32
    scf.for %while3A_167 = %while3A_116 to %while3A_112 step %while3A_118  : i32 {
      %mul3A_168 = arith.constant 16 : i32
      %mul3A_169 = arith.muli %while3A_167, %mul3A_168 : i32
      %swap3A = arith.index_cast %mul3A_169 : i32 to index
      %swap3A_170 = tpu.vector_load %arg10[%swap3A] {strides = array<i32>} : memref<5120xi32, #tpu.memory_space<vmem>>, vector<16xi32>,
      tpu.vector_store %arg10[%swap3A], %add3A_32 {strides = array<i32>} : memref<5120xi32, #tpu.memory_space<vmem>>, vector<16xi32>,
      %mul3A_171 = arith.constant 16 : i32
      %mul3A_172 = arith.muli %while3A_167, %mul3A_171 : i32
      %add3A_173 = arith.constant 2560 : i32
      %add3A_174 = arith.addi %add3A_173, %mul3A_172 : i32
      %swap3A_175 = arith.index_cast %add3A_174 : i32 to index
      %swap3A_176 = tpu.vector_load %arg10[%swap3A_175] {strides = array<i32>} : memref<5120xi32, #tpu.memory_space<vmem>>, vector<16xi32>,
      tpu.vector_store %arg10[%swap3A_175], %add3A_32 {strides = array<i32>} : memref<5120xi32, #tpu.memory_space<vmem>>, vector<16xi32>,
    }
    %scan3A_119 = arith.constant 0 : i32
    %scan3A_120 = arith.constant 5 : i32
    %scan3A_121 = arith.addi %scan3A_119, %scan3A_120 : i32
    %scan3A_122 = arith.constant 1 : i32
    scf.for %scan3A_167 = %scan3A_119 to %scan3A_121 step %scan3A_122  : i32 {
      %mul3A_168 = arith.constant 41600 : i32
      %mul3A_169 = arith.muli %arg1, %mul3A_168 : i32
      %mul3A_170 = arith.constant 8320 : i32
      %mul3A_171 = arith.muli %scan3A_167, %mul3A_170 : i32
      %add3A_172 = arith.addi %mul3A_169, %mul3A_171 : i32
      %dma_wait3A_173 = tpu.memref_slice %arg6[%add3A_172] : memref<665728xf32, #tpu.memory_space<vmem_shared>> -> memref<8320xf32, #tpu.memory_space<vmem_shared>>
      %dma_wait3A_174 = tpu.memref_slice %arg6[%add3A_172] : memref<665728xf32, #tpu.memory_space<vmem_shared>> -> memref<8320xf32, #tpu.memory_space<vmem_shared>>
      tpu.wait_dma2 semaphore(%arg14 : memref<!tpu.dma_semaphore, #tpu.memory_space<semaphore_mem>>) src(%arg13 : memref<8320xf32, #tpu.memory_space<vmem>>) dst(%dma_wait3A_174 : memref<8320xf32, #tpu.memory_space<vmem_shared>>)
    }
    %scan3A_123 = arith.constant 5 : i32
    %barrier3A = arith.constant 0 : index
    tpu.barrier barrier_id(%barrier3A)
    %dma_start3A = arith.constant 0 : i32
    %dma_start3A_124 = tpu.memref_slice %arg6[%dma_start3A] : memref<665728xf32, #tpu.memory_space<vmem_shared>> -> memref<665728xf32, #tpu.memory_space<vmem_shared>>
    tpu.enqueue_indirect_dma source(%arg12 : memref<5120xf32, #tpu.memory_space<vmem>>) target(%dma_start3A_124 : memref<665728xf32, #tpu.memory_space<vmem_shared>>) offsets(%arg10 : memref<5120xi32, #tpu.memory_space<vmem>>) semaphore(%arg15 : memref<!tpu.dma_semaphore, #tpu.memory_space<semaphore_mem>>) {add = true}
    %scan3A_125 = arith.constant 0 : i32
    %scan3A_126 = arith.constant 3 : i32
    %scan3A_127 = arith.addi %scan3A_125, %scan3A_126 : i32
    %scan3A_128 = arith.constant 1 : i32
    scf.for %scan3A_167 = %scan3A_125 to %scan3A_127 step %scan3A_128  : i32 {
      %jit3A_168 = arith.constant 2 : i32
      %eq3A_169 = arith.constant 0 : i32
      %eq3A_170 = arith.cmpi eq, %jit3A_168, %eq3A_169 : i32
      %jit3A_171 = arith.constant 1 : i32
      %select_n3A_172 = arith.select %eq3A_170, %jit3A_171, %jit3A_168 : i32
      %rem3A_173 = arith.remsi %scan3A_167, %select_n3A_172 : i32
      %ne3A_174 = arith.constant 0 : i32
      %ne3A_175 = arith.cmpi ne, %rem3A_173, %ne3A_174 : i32
      %lt3A_176 = arith.constant 0 : i32
      %lt3A_177 = arith.cmpi slt, %rem3A_173, %lt3A_176 : i32
      %lt3A_178 = arith.constant 0 : i32
      %lt3A_179 = arith.cmpi slt, %select_n3A_172, %lt3A_178 : i32
      %ne3A_180 = arith.xori %lt3A_177, %lt3A_179 : i1
      %and3A_181 = arith.andi %ne3A_180, %ne3A_175 : i1
      %add3A_182 = arith.addi %rem3A_173, %select_n3A_172 : i32
      %select_n3A_183 = arith.select %and3A_181, %add3A_182, %rem3A_173 : i32
      %eq3A_184 = arith.constant 0 : i32
      %eq3A_185 = arith.cmpi eq, %select_n3A_183, %eq3A_184 : i32
      %convert_element_type3A_186 = arith.extui %eq3A_185 : i1 to i32
      %cond3A_187 = arith.constant 0 : i32
      %cond3A_188 = arith.cmpi ne, %convert_element_type3A_186, %cond3A_187 : i32
      scf.if %cond3A_188 {
        %add3A_210 = arith.constant 1 : i32
        %add3A_211 = arith.addi %scan3A_167, %add3A_210 : i32
        %mul3A_212 = arith.constant 2560 : i32
        %mul3A_213 = arith.muli %add3A_211, %mul3A_212 : i32
        %add3A_214 = arith.addi %min3A_12, %mul3A_213 : i32
        %multiple_of3A_215 = tpu.assume_multiple %add3A_214, 128 : i32
        "tpu.region"() ({
          %run_scoped3A = tpu.sem_alloc : memref<!tpu.dma_semaphore, #tpu.memory_space<semaphore_mem>>
          %dma_start3A_312 = arith.constant 0 : i32
          %dma_start3A_313 = tpu.memref_slice %arg2[%dma_start3A_312, %multiple_of3A_215] : memref<2x320000xi32, #tpu.memory_space<hbm>> -> memref<2x2560xi32, #tpu.memory_space<hbm>>
          %dma_start3A_314 = arith.constant 0 : i32
          %dma_start3A_315 = tpu.memref_slice %arg2[%dma_start3A_314, %multiple_of3A_215] : memref<2x320000xi32, #tpu.memory_space<hbm>> -> memref<2x2560xi32, #tpu.memory_space<hbm>>
          tpu.enqueue_dma source(%dma_start3A_315 : memref<2x2560xi32, #tpu.memory_space<hbm>>) target(%arg8 : memref<2x2560xi32, #tpu.memory_space<vmem>>) target_semaphore(%run_scoped3A : memref<!tpu.dma_semaphore, #tpu.memory_space<semaphore_mem>>)
          %dma_wait3A_316 = arith.constant 0 : i32
          %dma_wait3A_317 = tpu.memref_slice %arg2[%dma_wait3A_316, %multiple_of3A_215] : memref<2x320000xi32, #tpu.memory_space<hbm>> -> memref<2x2560xi32, #tpu.memory_space<hbm>>
          %dma_wait3A_318 = arith.constant 0 : i32
          %dma_wait3A_319 = tpu.memref_slice %arg2[%dma_wait3A_318, %multiple_of3A_215] : memref<2x320000xi32, #tpu.memory_space<hbm>> -> memref<2x2560xi32, #tpu.memory_space<hbm>>
          tpu.wait_dma2 semaphore(%run_scoped3A : memref<!tpu.dma_semaphore, #tpu.memory_space<semaphore_mem>>) src(%dma_wait3A_319 : memref<2x2560xi32, #tpu.memory_space<hbm>>) dst(%arg8 : memref<2x2560xi32, #tpu.memory_space<vmem>>)
          tpu.yield
        }) : () -> ()
        %add3A_216 = arith.constant 1 : i32
        %add3A_217 = arith.addi %scan3A_167, %add3A_216 : i32
        %eq3A_218 = arith.constant 0 : i32
        %eq3A_219 = arith.cmpi eq, %add3A_217, %eq3A_218 : i32
        %jit3A_220 = arith.constant 16 : i32
        %div3A_221 = arith.divsi %sub3A_13, %jit3A_220 : i32
        %sign3A_222 = arith.constant 0 : i32
        %sign3A_223 = arith.cmpi sgt, %sub3A_13, %sign3A_222 : i32
        %sign3A_224 = arith.extui %sign3A_223 : i1 to i32
        %sign3A_225 = arith.constant 0 : i32
        %sign3A_226 = arith.cmpi slt, %sub3A_13, %sign3A_225 : i32
        %sign3A_227 = arith.extui %sign3A_226 : i1 to i32
        %sign3A_228 = arith.subi %sign3A_224, %sign3A_227 : i32
        %sign3A_229 = arith.constant 0 : i32
        %sign3A_230 = arith.cmpi sgt, %jit3A_220, %sign3A_229 : i32
        %sign3A_231 = arith.extui %sign3A_230 : i1 to i32
        %sign3A_232 = arith.constant 0 : i32
        %sign3A_233 = arith.cmpi slt, %jit3A_220, %sign3A_232 : i32
        %sign3A_234 = arith.extui %sign3A_233 : i1 to i32
        %sign3A_235 = arith.subi %sign3A_231, %sign3A_234 : i32
        %ne3A_236 = arith.cmpi ne, %sign3A_228, %sign3A_235 : i32
        %rem3A_237 = arith.remsi %sub3A_13, %jit3A_220 : i32
        %ne3A_238 = arith.constant 0 : i32
        %ne3A_239 = arith.cmpi ne, %rem3A_237, %ne3A_238 : i32
        %and3A_240 = arith.andi %ne3A_236, %ne3A_239 : i1
        %sub3A_241 = arith.constant 1 : i32
        %sub3A_242 = arith.subi %div3A_221, %sub3A_241 : i32
        %select_n3A_243 = arith.select %and3A_240, %sub3A_242, %div3A_221 : i32
        %jit3A_244 = arith.constant 0 : i32
        %select_n3A_245 = arith.select %eq3A_219, %select_n3A_243, %jit3A_244 : i32
        %add3A_246 = arith.constant 10000 : i32
        %add3A_247 = arith.addi %sub3A_13, %add3A_246 : i32
        %mul3A_248 = arith.constant 2560 : i32
        %mul3A_249 = arith.muli %add3A_217, %mul3A_248 : i32
        %sub3A_250 = arith.subi %add3A_247, %mul3A_249 : i32
        %jit3A_251 = arith.constant 16 : i32
        %div3A_252 = arith.divsi %sub3A_250, %jit3A_251 : i32
        %sign3A_253 = arith.constant 0 : i32
        %sign3A_254 = arith.cmpi sgt, %sub3A_250, %sign3A_253 : i32
        %sign3A_255 = arith.extui %sign3A_254 : i1 to i32
        %sign3A_256 = arith.constant 0 : i32
        %sign3A_257 = arith.cmpi slt, %sub3A_250, %sign3A_256 : i32
        %sign3A_258 = arith.extui %sign3A_257 : i1 to i32
        %sign3A_259 = arith.subi %sign3A_255, %sign3A_258 : i32
        %sign3A_260 = arith.constant 0 : i32
        %sign3A_261 = arith.cmpi sgt, %jit3A_251, %sign3A_260 : i32
        %sign3A_262 = arith.extui %sign3A_261 : i1 to i32
        %sign3A_263 = arith.constant 0 : i32
        %sign3A_264 = arith.cmpi slt, %jit3A_251, %sign3A_263 : i32
        %sign3A_265 = arith.extui %sign3A_264 : i1 to i32
        %sign3A_266 = arith.subi %sign3A_262, %sign3A_265 : i32
        %ne3A_267 = arith.cmpi ne, %sign3A_259, %sign3A_266 : i32
        %rem3A_268 = arith.remsi %sub3A_250, %jit3A_251 : i32
        %ne3A_269 = arith.constant 0 : i32
        %ne3A_270 = arith.cmpi ne, %rem3A_268, %ne3A_269 : i32
        %and3A_271 = arith.andi %ne3A_267, %ne3A_270 : i1
        %sub3A_272 = arith.constant 1 : i32
        %sub3A_273 = arith.subi %div3A_252, %sub3A_272 : i32
        %select_n3A_274 = arith.select %and3A_271, %sub3A_273, %div3A_252 : i32
        %min3A_275 = arith.constant 160 : i32
        %min3A_276 = arith.minsi %min3A_275, %select_n3A_274 : i32
        %broadcast_in_dim3A_277 = arith.constant 0 : i32
        %broadcast_in_dim3A_278 = vector.broadcast %broadcast_in_dim3A_277 : i32 to vector<16xi32>
        %broadcast_in_dim3A_279 = arith.constant 1 : i32
        %broadcast_in_dim3A_280 = vector.broadcast %broadcast_in_dim3A_279 : i32 to vector<16xi32>
        %iota3A_281 = tpu.iota {dimensions = array<i32: 0>} : vector<16xi32>
        %while3A_282 = arith.subi %min3A_276, %select_n3A_245 : i32
        %while3A_283 = arith.addi %select_n3A_245, %while3A_282 : i32
        %while3A_284 = arith.constant 1 : i32
        %while3A_285 = arith.divsi %while3A_282, %while3A_284 : i32
        %while3A_286 = arith.muli %while3A_285, %while3A_284 : i32
        %while3A_287 = arith.addi %select_n3A_245, %while3A_286 : i32
        %while3A_288 = arith.constant 1 : i32
        scf.for %while3A_312 = %select_n3A_245 to %while3A_287 step %while3A_288  : i32 {
          %mul3A_313 = arith.constant 16 : i32
          %mul3A_314 = arith.muli %while3A_312, %mul3A_313 : i32
          %add3A_315 = vector.broadcast %mul3A_314 : i32 to vector<16xi32>
          %add3A_316 = arith.addi %add3A_315, %iota3A_281 : vector<16xi32>
          %gather3A = tpu.vector_load_idx %arg8[%broadcast_in_dim3A_278, %add3A_316] : memref<2x2560xi32, #tpu.memory_space<vmem>>[vector<16xi32>, vector<16xi32>], vector<16xi32>,
          %gather3A_317 = tpu.vector_load_idx %arg8[%broadcast_in_dim3A_280, %add3A_316] : memref<2x2560xi32, #tpu.memory_space<vmem>>[vector<16xi32>, vector<16xi32>], vector<16xi32>,
          %gather3A_318 = tpu.vector_load_idx %arg9[%gather3A] : memref<10000xi32, #tpu.memory_space<vmem>>[vector<16xi32>], vector<16xi32>,
          %mul3A_319 = arith.constant 16 : i32
          %mul3A_320 = arith.muli %while3A_312, %mul3A_319 : i32
          %swap3A = arith.index_cast %mul3A_320 : i32 to index
          %swap3A_321 = tpu.vector_load %arg11[%swap3A] {strides = array<i32>} : memref<5120xi32, #tpu.memory_space<vmem>>, vector<16xi32>,
          tpu.vector_store %arg11[%swap3A], %gather3A {strides = array<i32>} : memref<5120xi32, #tpu.memory_space<vmem>>, vector<16xi32>,
          %add3A_322 = arith.constant 1 : i32
          %add3A_323 = vector.broadcast %add3A_322 : i32 to vector<16xi32>
          %add3A_324 = arith.addi %gather3A_318, %add3A_323 : vector<16xi32>
          %mul3A_325 = arith.constant 10240 : i32
          %mul3A_326 = vector.broadcast %mul3A_325 : i32 to vector<16xi32>
          %mul3A_327 = arith.muli %add3A_324, %mul3A_326 : vector<16xi32>
          %add3A_328 = arith.addi %mul3A_327, %gather3A_317 : vector<16xi32>
          %mul3A_329 = arith.constant 16 : i32
          %mul3A_330 = arith.muli %while3A_312, %mul3A_329 : i32
          %add3A_331 = arith.constant 2560 : i32
          %add3A_332 = arith.addi %add3A_331, %mul3A_330 : i32
          %swap3A_333 = arith.index_cast %add3A_332 : i32 to index
          %swap3A_334 = tpu.vector_load %arg11[%swap3A_333] {strides = array<i32>} : memref<5120xi32, #tpu.memory_space<vmem>>, vector<16xi32>,
          tpu.vector_store %arg11[%swap3A_333], %add3A_328 {strides = array<i32>} : memref<5120xi32, #tpu.memory_space<vmem>>, vector<16xi32>,
        }
        %while3A_289 = arith.constant 1 : i32
        scf.for %while3A_312 = %while3A_287 to %while3A_283 step %while3A_289  : i32 {
          %mul3A_313 = arith.constant 16 : i32
          %mul3A_314 = arith.muli %while3A_312, %mul3A_313 : i32
          %add3A_315 = vector.broadcast %mul3A_314 : i32 to vector<16xi32>
          %add3A_316 = arith.addi %add3A_315, %iota3A_281 : vector<16xi32>
          %gather3A = tpu.vector_load_idx %arg8[%broadcast_in_dim3A_278, %add3A_316] : memref<2x2560xi32, #tpu.memory_space<vmem>>[vector<16xi32>, vector<16xi32>], vector<16xi32>,
          %gather3A_317 = tpu.vector_load_idx %arg8[%broadcast_in_dim3A_280, %add3A_316] : memref<2x2560xi32, #tpu.memory_space<vmem>>[vector<16xi32>, vector<16xi32>], vector<16xi32>,
          %gather3A_318 = tpu.vector_load_idx %arg9[%gather3A] : memref<10000xi32, #tpu.memory_space<vmem>>[vector<16xi32>], vector<16xi32>,
          %mul3A_319 = arith.constant 16 : i32
          %mul3A_320 = arith.muli %while3A_312, %mul3A_319 : i32
          %swap3A = arith.index_cast %mul3A_320 : i32 to index
          %swap3A_321 = tpu.vector_load %arg11[%swap3A] {strides = array<i32>} : memref<5120xi32, #tpu.memory_space<vmem>>, vector<16xi32>,
          tpu.vector_store %arg11[%swap3A], %gather3A {strides = array<i32>} : memref<5120xi32, #tpu.memory_space<vmem>>, vector<16xi32>,
          %add3A_322 = arith.constant 1 : i32
          %add3A_323 = vector.broadcast %add3A_322 : i32 to vector<16xi32>
          %add3A_324 = arith.addi %gather3A_318, %add3A_323 : vector<16xi32>
          %mul3A_325 = arith.constant 10240 : i32
          %mul3A_326 = vector.broadcast %mul3A_325 : i32 to vector<16xi32>
          %mul3A_327 = arith.muli %add3A_324, %mul3A_326 : vector<16xi32>
          %add3A_328 = arith.addi %mul3A_327, %gather3A_317 : vector<16xi32>
          %mul3A_329 = arith.constant 16 : i32
          %mul3A_330 = arith.muli %while3A_312, %mul3A_329 : i32
          %add3A_331 = arith.constant 2560 : i32
          %add3A_332 = arith.addi %add3A_331, %mul3A_330 : i32
          %swap3A_333 = arith.index_cast %add3A_332 : i32 to index
          %swap3A_334 = tpu.vector_load %arg11[%swap3A_333] {strides = array<i32>} : memref<5120xi32, #tpu.memory_space<vmem>>, vector<16xi32>,
          tpu.vector_store %arg11[%swap3A_333], %add3A_328 {strides = array<i32>} : memref<5120xi32, #tpu.memory_space<vmem>>, vector<16xi32>,
        }
        %while3A_290 = arith.constant 0 : i32
        %while3A_291 = arith.subi %select_n3A_245, %while3A_290 : i32
        %while3A_292 = arith.addi %while3A_290, %while3A_291 : i32
        %while3A_293 = arith.constant 1 : i32
        %while3A_294 = arith.divsi %while3A_291, %while3A_293 : i32
        %while3A_295 = arith.muli %while3A_294, %while3A_293 : i32
        %while3A_296 = arith.addi %while3A_290, %while3A_295 : i32
        %while3A_297 = arith.constant 1 : i32
        scf.for %while3A_312 = %while3A_290 to %while3A_296 step %while3A_297  : i32 {
          %mul3A_313 = arith.constant 16 : i32
          %mul3A_314 = arith.muli %while3A_312, %mul3A_313 : i32
          %swap3A = arith.index_cast %mul3A_314 : i32 to index
          %swap3A_315 = tpu.vector_load %arg11[%swap3A] {strides = array<i32>} : memref<5120xi32, #tpu.memory_space<vmem>>, vector<16xi32>,
          tpu.vector_store %arg11[%swap3A], %add3A_32 {strides = array<i32>} : memref<5120xi32, #tpu.memory_space<vmem>>, vector<16xi32>,
          %mul3A_316 = arith.constant 16 : i32
          %mul3A_317 = arith.muli %while3A_312, %mul3A_316 : i32
          %add3A_318 = arith.constant 2560 : i32
          %add3A_319 = arith.addi %add3A_318, %mul3A_317 : i32
          %swap3A_320 = arith.index_cast %add3A_319 : i32 to index
          %swap3A_321 = tpu.vector_load %arg11[%swap3A_320] {strides = array<i32>} : memref<5120xi32, #tpu.memory_space<vmem>>, vector<16xi32>,
          tpu.vector_store %arg11[%swap3A_320], %add3A_32 {strides = array<i32>} : memref<5120xi32, #tpu.memory_space<vmem>>, vector<16xi32>,
        }
        %while3A_298 = arith.constant 1 : i32
        scf.for %while3A_312 = %while3A_296 to %while3A_292 step %while3A_298  : i32 {
          %mul3A_313 = arith.constant 16 : i32
          %mul3A_314 = arith.muli %while3A_312, %mul3A_313 : i32
          %swap3A = arith.index_cast %mul3A_314 : i32 to index
          %swap3A_315 = tpu.vector_load %arg11[%swap3A] {strides = array<i32>} : memref<5120xi32, #tpu.memory_space<vmem>>, vector<16xi32>,
          tpu.vector_store %arg11[%swap3A], %add3A_32 {strides = array<i32>} : memref<5120xi32, #tpu.memory_space<vmem>>, vector<16xi32>,
          %mul3A_316 = arith.constant 16 : i32
          %mul3A_317 = arith.muli %while3A_312, %mul3A_316 : i32
          %add3A_318 = arith.constant 2560 : i32
          %add3A_319 = arith.addi %add3A_318, %mul3A_317 : i32
          %swap3A_320 = arith.index_cast %add3A_319 : i32 to index
          %swap3A_321 = tpu.vector_load %arg11[%swap3A_320] {strides = array<i32>} : memref<5120xi32, #tpu.memory_space<vmem>>, vector<16xi32>,
          tpu.vector_store %arg11[%swap3A_320], %add3A_32 {strides = array<i32>} : memref<5120xi32, #tpu.memory_space<vmem>>, vector<16xi32>,
        }
        %while3A_299 = arith.constant 160 : i32
        %while3A_300 = arith.subi %while3A_299, %min3A_276 : i32
        %while3A_301 = arith.addi %min3A_276, %while3A_300 : i32
        %while3A_302 = arith.constant 1 : i32
        %while3A_303 = arith.divsi %while3A_300, %while3A_302 : i32
        %while3A_304 = arith.muli %while3A_303, %while3A_302 : i32
        %while3A_305 = arith.addi %min3A_276, %while3A_304 : i32
        %while3A_306 = arith.constant 1 : i32
        scf.for %while3A_312 = %min3A_276 to %while3A_305 step %while3A_306  : i32 {
          %mul3A_313 = arith.constant 16 : i32
          %mul3A_314 = arith.muli %while3A_312, %mul3A_313 : i32
          %swap3A = arith.index_cast %mul3A_314 : i32 to index
          %swap3A_315 = tpu.vector_load %arg11[%swap3A] {strides = array<i32>} : memref<5120xi32, #tpu.memory_space<vmem>>, vector<16xi32>,
          tpu.vector_store %arg11[%swap3A], %add3A_32 {strides = array<i32>} : memref<5120xi32, #tpu.memory_space<vmem>>, vector<16xi32>,
          %mul3A_316 = arith.constant 16 : i32
          %mul3A_317 = arith.muli %while3A_312, %mul3A_316 : i32
          %add3A_318 = arith.constant 2560 : i32
          %add3A_319 = arith.addi %add3A_318, %mul3A_317 : i32
          %swap3A_320 = arith.index_cast %add3A_319 : i32 to index
          %swap3A_321 = tpu.vector_load %arg11[%swap3A_320] {strides = array<i32>} : memref<5120xi32, #tpu.memory_space<vmem>>, vector<16xi32>,
          tpu.vector_store %arg11[%swap3A_320], %add3A_32 {strides = array<i32>} : memref<5120xi32, #tpu.memory_space<vmem>>, vector<16xi32>,
        }
        %while3A_307 = arith.constant 1 : i32
        scf.for %while3A_312 = %while3A_305 to %while3A_301 step %while3A_307  : i32 {
          %mul3A_313 = arith.constant 16 : i32
          %mul3A_314 = arith.muli %while3A_312, %mul3A_313 : i32
          %swap3A = arith.index_cast %mul3A_314 : i32 to index
          %swap3A_315 = tpu.vector_load %arg11[%swap3A] {strides = array<i32>} : memref<5120xi32, #tpu.memory_space<vmem>>, vector<16xi32>,
          tpu.vector_store %arg11[%swap3A], %add3A_32 {strides = array<i32>} : memref<5120xi32, #tpu.memory_space<vmem>>, vector<16xi32>,
          %mul3A_316 = arith.constant 16 : i32
          %mul3A_317 = arith.muli %while3A_312, %mul3A_316 : i32
          %add3A_318 = arith.constant 2560 : i32
          %add3A_319 = arith.addi %add3A_318, %mul3A_317 : i32
          %swap3A_320 = arith.index_cast %add3A_319 : i32 to index
          %swap3A_321 = tpu.vector_load %arg11[%swap3A_320] {strides = array<i32>} : memref<5120xi32, #tpu.memory_space<vmem>>, vector<16xi32>,
          tpu.vector_store %arg11[%swap3A_320], %add3A_32 {strides = array<i32>} : memref<5120xi32, #tpu.memory_space<vmem>>, vector<16xi32>,
        }
        %dma_start3A_308 = arith.constant 0 : i32
        %dma_start3A_309 = tpu.memref_slice %arg6[%dma_start3A_308] : memref<665728xf32, #tpu.memory_space<vmem_shared>> -> memref<665728xf32, #tpu.memory_space<vmem_shared>>
        tpu.enqueue_indirect_dma source(%arg12 : memref<5120xf32, #tpu.memory_space<vmem>>) target(%dma_start3A_309 : memref<665728xf32, #tpu.memory_space<vmem_shared>>) offsets(%arg11 : memref<5120xi32, #tpu.memory_space<vmem>>) semaphore(%arg15 : memref<!tpu.dma_semaphore, #tpu.memory_space<semaphore_mem>>) {add = true}
        %dma_wait3A_310 = arith.constant 0 : i32
        %dma_wait3A_311 = tpu.memref_slice %arg6[%dma_wait3A_310] : memref<665728xf32, #tpu.memory_space<vmem_shared>> -> memref<665728xf32, #tpu.memory_space<vmem_shared>>
        tpu.wait_indirect_dma semaphore(%arg15 : memref<!tpu.dma_semaphore, #tpu.memory_space<semaphore_mem>>) src(%arg12 : memref<5120xf32, #tpu.memory_space<vmem>>) dst(%dma_wait3A_311 : memref<665728xf32, #tpu.memory_space<vmem_shared>>)
      } else {
      }
      %jit3A_189 = arith.constant 2 : i32
      %eq3A_190 = arith.constant 0 : i32
      %eq3A_191 = arith.cmpi eq, %jit3A_189, %eq3A_190 : i32
      %jit3A_192 = arith.constant 1 : i32
      %select_n3A_193 = arith.select %eq3A_191, %jit3A_192, %jit3A_189 : i32
      %rem3A_194 = arith.remsi %scan3A_167, %select_n3A_193 : i32
      %ne3A_195 = arith.constant 0 : i32
      %ne3A_196 = arith.cmpi ne, %rem3A_194, %ne3A_195 : i32
      %lt3A_197 = arith.constant 0 : i32
      %lt3A_198 = arith.cmpi slt, %rem3A_194, %lt3A_197 : i32
      %lt3A_199 = arith.constant 0 : i32
      %lt3A_200 = arith.cmpi slt, %select_n3A_193, %lt3A_199 : i32
      %ne3A_201 = arith.xori %lt3A_198, %lt3A_200 : i1
      %and3A_202 = arith.andi %ne3A_201, %ne3A_196 : i1
      %add3A_203 = arith.addi %rem3A_194, %select_n3A_193 : i32
      %select_n3A_204 = arith.select %and3A_202, %add3A_203, %rem3A_194 : i32
      %eq3A_205 = arith.constant 1 : i32
      %eq3A_206 = arith.cmpi eq, %select_n3A_204, %eq3A_205 : i32
      %convert_element_type3A_207 = arith.extui %eq3A_206 : i1 to i32
      %cond3A_208 = arith.constant 0 : i32
      %cond3A_209 = arith.cmpi ne, %convert_element_type3A_207, %cond3A_208 : i32
      scf.if %cond3A_209 {
        %add3A_210 = arith.constant 1 : i32
        %add3A_211 = arith.addi %scan3A_167, %add3A_210 : i32
        %mul3A_212 = arith.constant 2560 : i32
        %mul3A_213 = arith.muli %add3A_211, %mul3A_212 : i32
        %add3A_214 = arith.addi %min3A_12, %mul3A_213 : i32
        %multiple_of3A_215 = tpu.assume_multiple %add3A_214, 128 : i32
        "tpu.region"() ({
          %run_scoped3A = tpu.sem_alloc : memref<!tpu.dma_semaphore, #tpu.memory_space<semaphore_mem>>
          %dma_start3A_312 = arith.constant 0 : i32
          %dma_start3A_313 = tpu.memref_slice %arg2[%dma_start3A_312, %multiple_of3A_215] : memref<2x320000xi32, #tpu.memory_space<hbm>> -> memref<2x2560xi32, #tpu.memory_space<hbm>>
          %dma_start3A_314 = arith.constant 0 : i32
          %dma_start3A_315 = tpu.memref_slice %arg2[%dma_start3A_314, %multiple_of3A_215] : memref<2x320000xi32, #tpu.memory_space<hbm>> -> memref<2x2560xi32, #tpu.memory_space<hbm>>
          tpu.enqueue_dma source(%dma_start3A_315 : memref<2x2560xi32, #tpu.memory_space<hbm>>) target(%arg7 : memref<2x2560xi32, #tpu.memory_space<vmem>>) target_semaphore(%run_scoped3A : memref<!tpu.dma_semaphore, #tpu.memory_space<semaphore_mem>>)
          %dma_wait3A_316 = arith.constant 0 : i32
          %dma_wait3A_317 = tpu.memref_slice %arg2[%dma_wait3A_316, %multiple_of3A_215] : memref<2x320000xi32, #tpu.memory_space<hbm>> -> memref<2x2560xi32, #tpu.memory_space<hbm>>
          %dma_wait3A_318 = arith.constant 0 : i32
          %dma_wait3A_319 = tpu.memref_slice %arg2[%dma_wait3A_318, %multiple_of3A_215] : memref<2x320000xi32, #tpu.memory_space<hbm>> -> memref<2x2560xi32, #tpu.memory_space<hbm>>
          tpu.wait_dma2 semaphore(%run_scoped3A : memref<!tpu.dma_semaphore, #tpu.memory_space<semaphore_mem>>) src(%dma_wait3A_319 : memref<2x2560xi32, #tpu.memory_space<hbm>>) dst(%arg7 : memref<2x2560xi32, #tpu.memory_space<vmem>>)
          tpu.yield
        }) : () -> ()
        %add3A_216 = arith.constant 1 : i32
        %add3A_217 = arith.addi %scan3A_167, %add3A_216 : i32
        %eq3A_218 = arith.constant 0 : i32
        %eq3A_219 = arith.cmpi eq, %add3A_217, %eq3A_218 : i32
        %jit3A_220 = arith.constant 16 : i32
        %div3A_221 = arith.divsi %sub3A_13, %jit3A_220 : i32
        %sign3A_222 = arith.constant 0 : i32
        %sign3A_223 = arith.cmpi sgt, %sub3A_13, %sign3A_222 : i32
        %sign3A_224 = arith.extui %sign3A_223 : i1 to i32
        %sign3A_225 = arith.constant 0 : i32
        %sign3A_226 = arith.cmpi slt, %sub3A_13, %sign3A_225 : i32
        %sign3A_227 = arith.extui %sign3A_226 : i1 to i32
        %sign3A_228 = arith.subi %sign3A_224, %sign3A_227 : i32
        %sign3A_229 = arith.constant 0 : i32
        %sign3A_230 = arith.cmpi sgt, %jit3A_220, %sign3A_229 : i32
        %sign3A_231 = arith.extui %sign3A_230 : i1 to i32
        %sign3A_232 = arith.constant 0 : i32
        %sign3A_233 = arith.cmpi slt, %jit3A_220, %sign3A_232 : i32
        %sign3A_234 = arith.extui %sign3A_233 : i1 to i32
        %sign3A_235 = arith.subi %sign3A_231, %sign3A_234 : i32
        %ne3A_236 = arith.cmpi ne, %sign3A_228, %sign3A_235 : i32
        %rem3A_237 = arith.remsi %sub3A_13, %jit3A_220 : i32
        %ne3A_238 = arith.constant 0 : i32
        %ne3A_239 = arith.cmpi ne, %rem3A_237, %ne3A_238 : i32
        %and3A_240 = arith.andi %ne3A_236, %ne3A_239 : i1
        %sub3A_241 = arith.constant 1 : i32
        %sub3A_242 = arith.subi %div3A_221, %sub3A_241 : i32
        %select_n3A_243 = arith.select %and3A_240, %sub3A_242, %div3A_221 : i32
        %jit3A_244 = arith.constant 0 : i32
        %select_n3A_245 = arith.select %eq3A_219, %select_n3A_243, %jit3A_244 : i32
        %add3A_246 = arith.constant 10000 : i32
        %add3A_247 = arith.addi %sub3A_13, %add3A_246 : i32
        %mul3A_248 = arith.constant 2560 : i32
        %mul3A_249 = arith.muli %add3A_217, %mul3A_248 : i32
        %sub3A_250 = arith.subi %add3A_247, %mul3A_249 : i32
        %jit3A_251 = arith.constant 16 : i32
        %div3A_252 = arith.divsi %sub3A_250, %jit3A_251 : i32
        %sign3A_253 = arith.constant 0 : i32
        %sign3A_254 = arith.cmpi sgt, %sub3A_250, %sign3A_253 : i32
        %sign3A_255 = arith.extui %sign3A_254 : i1 to i32
        %sign3A_256 = arith.constant 0 : i32
        %sign3A_257 = arith.cmpi slt, %sub3A_250, %sign3A_256 : i32
        %sign3A_258 = arith.extui %sign3A_257 : i1 to i32
        %sign3A_259 = arith.subi %sign3A_255, %sign3A_258 : i32
        %sign3A_260 = arith.constant 0 : i32
        %sign3A_261 = arith.cmpi sgt, %jit3A_251, %sign3A_260 : i32
        %sign3A_262 = arith.extui %sign3A_261 : i1 to i32
        %sign3A_263 = arith.constant 0 : i32
        %sign3A_264 = arith.cmpi slt, %jit3A_251, %sign3A_263 : i32
        %sign3A_265 = arith.extui %sign3A_264 : i1 to i32
        %sign3A_266 = arith.subi %sign3A_262, %sign3A_265 : i32
        %ne3A_267 = arith.cmpi ne, %sign3A_259, %sign3A_266 : i32
        %rem3A_268 = arith.remsi %sub3A_250, %jit3A_251 : i32
        %ne3A_269 = arith.constant 0 : i32
        %ne3A_270 = arith.cmpi ne, %rem3A_268, %ne3A_269 : i32
        %and3A_271 = arith.andi %ne3A_267, %ne3A_270 : i1
        %sub3A_272 = arith.constant 1 : i32
        %sub3A_273 = arith.subi %div3A_252, %sub3A_272 : i32
        %select_n3A_274 = arith.select %and3A_271, %sub3A_273, %div3A_252 : i32
        %min3A_275 = arith.constant 160 : i32
        %min3A_276 = arith.minsi %min3A_275, %select_n3A_274 : i32
        %broadcast_in_dim3A_277 = arith.constant 0 : i32
        %broadcast_in_dim3A_278 = vector.broadcast %broadcast_in_dim3A_277 : i32 to vector<16xi32>
        %broadcast_in_dim3A_279 = arith.constant 1 : i32
        %broadcast_in_dim3A_280 = vector.broadcast %broadcast_in_dim3A_279 : i32 to vector<16xi32>
        %iota3A_281 = tpu.iota {dimensions = array<i32: 0>} : vector<16xi32>
        %while3A_282 = arith.subi %min3A_276, %select_n3A_245 : i32
        %while3A_283 = arith.addi %select_n3A_245, %while3A_282 : i32
        %while3A_284 = arith.constant 1 : i32
        %while3A_285 = arith.divsi %while3A_282, %while3A_284 : i32
        %while3A_286 = arith.muli %while3A_285, %while3A_284 : i32
        %while3A_287 = arith.addi %select_n3A_245, %while3A_286 : i32
        %while3A_288 = arith.constant 1 : i32
        scf.for %while3A_312 = %select_n3A_245 to %while3A_287 step %while3A_288  : i32 {
          %mul3A_313 = arith.constant 16 : i32
          %mul3A_314 = arith.muli %while3A_312, %mul3A_313 : i32
          %add3A_315 = vector.broadcast %mul3A_314 : i32 to vector<16xi32>
          %add3A_316 = arith.addi %add3A_315, %iota3A_281 : vector<16xi32>
          %gather3A = tpu.vector_load_idx %arg7[%broadcast_in_dim3A_278, %add3A_316] : memref<2x2560xi32, #tpu.memory_space<vmem>>[vector<16xi32>, vector<16xi32>], vector<16xi32>,
          %gather3A_317 = tpu.vector_load_idx %arg7[%broadcast_in_dim3A_280, %add3A_316] : memref<2x2560xi32, #tpu.memory_space<vmem>>[vector<16xi32>, vector<16xi32>], vector<16xi32>,
          %gather3A_318 = tpu.vector_load_idx %arg9[%gather3A] : memref<10000xi32, #tpu.memory_space<vmem>>[vector<16xi32>], vector<16xi32>,
          %mul3A_319 = arith.constant 16 : i32
          %mul3A_320 = arith.muli %while3A_312, %mul3A_319 : i32
          %swap3A = arith.index_cast %mul3A_320 : i32 to index
          %swap3A_321 = tpu.vector_load %arg10[%swap3A] {strides = array<i32>} : memref<5120xi32, #tpu.memory_space<vmem>>, vector<16xi32>,
          tpu.vector_store %arg10[%swap3A], %gather3A {strides = array<i32>} : memref<5120xi32, #tpu.memory_space<vmem>>, vector<16xi32>,
          %add3A_322 = arith.constant 1 : i32
          %add3A_323 = vector.broadcast %add3A_322 : i32 to vector<16xi32>
          %add3A_324 = arith.addi %gather3A_318, %add3A_323 : vector<16xi32>
          %mul3A_325 = arith.constant 10240 : i32
          %mul3A_326 = vector.broadcast %mul3A_325 : i32 to vector<16xi32>
          %mul3A_327 = arith.muli %add3A_324, %mul3A_326 : vector<16xi32>
          %add3A_328 = arith.addi %mul3A_327, %gather3A_317 : vector<16xi32>
          %mul3A_329 = arith.constant 16 : i32
          %mul3A_330 = arith.muli %while3A_312, %mul3A_329 : i32
          %add3A_331 = arith.constant 2560 : i32
          %add3A_332 = arith.addi %add3A_331, %mul3A_330 : i32
          %swap3A_333 = arith.index_cast %add3A_332 : i32 to index
          %swap3A_334 = tpu.vector_load %arg10[%swap3A_333] {strides = array<i32>} : memref<5120xi32, #tpu.memory_space<vmem>>, vector<16xi32>,
          tpu.vector_store %arg10[%swap3A_333], %add3A_328 {strides = array<i32>} : memref<5120xi32, #tpu.memory_space<vmem>>, vector<16xi32>,
        }
        %while3A_289 = arith.constant 1 : i32
        scf.for %while3A_312 = %while3A_287 to %while3A_283 step %while3A_289  : i32 {
          %mul3A_313 = arith.constant 16 : i32
          %mul3A_314 = arith.muli %while3A_312, %mul3A_313 : i32
          %add3A_315 = vector.broadcast %mul3A_314 : i32 to vector<16xi32>
          %add3A_316 = arith.addi %add3A_315, %iota3A_281 : vector<16xi32>
          %gather3A = tpu.vector_load_idx %arg7[%broadcast_in_dim3A_278, %add3A_316] : memref<2x2560xi32, #tpu.memory_space<vmem>>[vector<16xi32>, vector<16xi32>], vector<16xi32>,
          %gather3A_317 = tpu.vector_load_idx %arg7[%broadcast_in_dim3A_280, %add3A_316] : memref<2x2560xi32, #tpu.memory_space<vmem>>[vector<16xi32>, vector<16xi32>], vector<16xi32>,
          %gather3A_318 = tpu.vector_load_idx %arg9[%gather3A] : memref<10000xi32, #tpu.memory_space<vmem>>[vector<16xi32>], vector<16xi32>,
          %mul3A_319 = arith.constant 16 : i32
          %mul3A_320 = arith.muli %while3A_312, %mul3A_319 : i32
          %swap3A = arith.index_cast %mul3A_320 : i32 to index
          %swap3A_321 = tpu.vector_load %arg10[%swap3A] {strides = array<i32>} : memref<5120xi32, #tpu.memory_space<vmem>>, vector<16xi32>,
          tpu.vector_store %arg10[%swap3A], %gather3A {strides = array<i32>} : memref<5120xi32, #tpu.memory_space<vmem>>, vector<16xi32>,
          %add3A_322 = arith.constant 1 : i32
          %add3A_323 = vector.broadcast %add3A_322 : i32 to vector<16xi32>
          %add3A_324 = arith.addi %gather3A_318, %add3A_323 : vector<16xi32>
          %mul3A_325 = arith.constant 10240 : i32
          %mul3A_326 = vector.broadcast %mul3A_325 : i32 to vector<16xi32>
          %mul3A_327 = arith.muli %add3A_324, %mul3A_326 : vector<16xi32>
          %add3A_328 = arith.addi %mul3A_327, %gather3A_317 : vector<16xi32>
          %mul3A_329 = arith.constant 16 : i32
          %mul3A_330 = arith.muli %while3A_312, %mul3A_329 : i32
          %add3A_331 = arith.constant 2560 : i32
          %add3A_332 = arith.addi %add3A_331, %mul3A_330 : i32
          %swap3A_333 = arith.index_cast %add3A_332 : i32 to index
          %swap3A_334 = tpu.vector_load %arg10[%swap3A_333] {strides = array<i32>} : memref<5120xi32, #tpu.memory_space<vmem>>, vector<16xi32>,
          tpu.vector_store %arg10[%swap3A_333], %add3A_328 {strides = array<i32>} : memref<5120xi32, #tpu.memory_space<vmem>>, vector<16xi32>,
        }
        %while3A_290 = arith.constant 0 : i32
        %while3A_291 = arith.subi %select_n3A_245, %while3A_290 : i32
        %while3A_292 = arith.addi %while3A_290, %while3A_291 : i32
        %while3A_293 = arith.constant 1 : i32
        %while3A_294 = arith.divsi %while3A_291, %while3A_293 : i32
        %while3A_295 = arith.muli %while3A_294, %while3A_293 : i32
        %while3A_296 = arith.addi %while3A_290, %while3A_295 : i32
        %while3A_297 = arith.constant 1 : i32
        scf.for %while3A_312 = %while3A_290 to %while3A_296 step %while3A_297  : i32 {
          %mul3A_313 = arith.constant 16 : i32
          %mul3A_314 = arith.muli %while3A_312, %mul3A_313 : i32
          %swap3A = arith.index_cast %mul3A_314 : i32 to index
          %swap3A_315 = tpu.vector_load %arg10[%swap3A] {strides = array<i32>} : memref<5120xi32, #tpu.memory_space<vmem>>, vector<16xi32>,
          tpu.vector_store %arg10[%swap3A], %add3A_32 {strides = array<i32>} : memref<5120xi32, #tpu.memory_space<vmem>>, vector<16xi32>,
          %mul3A_316 = arith.constant 16 : i32
          %mul3A_317 = arith.muli %while3A_312, %mul3A_316 : i32
          %add3A_318 = arith.constant 2560 : i32
          %add3A_319 = arith.addi %add3A_318, %mul3A_317 : i32
          %swap3A_320 = arith.index_cast %add3A_319 : i32 to index
          %swap3A_321 = tpu.vector_load %arg10[%swap3A_320] {strides = array<i32>} : memref<5120xi32, #tpu.memory_space<vmem>>, vector<16xi32>,
          tpu.vector_store %arg10[%swap3A_320], %add3A_32 {strides = array<i32>} : memref<5120xi32, #tpu.memory_space<vmem>>, vector<16xi32>,
        }
        %while3A_298 = arith.constant 1 : i32
        scf.for %while3A_312 = %while3A_296 to %while3A_292 step %while3A_298  : i32 {
          %mul3A_313 = arith.constant 16 : i32
          %mul3A_314 = arith.muli %while3A_312, %mul3A_313 : i32
          %swap3A = arith.index_cast %mul3A_314 : i32 to index
          %swap3A_315 = tpu.vector_load %arg10[%swap3A] {strides = array<i32>} : memref<5120xi32, #tpu.memory_space<vmem>>, vector<16xi32>,
          tpu.vector_store %arg10[%swap3A], %add3A_32 {strides = array<i32>} : memref<5120xi32, #tpu.memory_space<vmem>>, vector<16xi32>,
          %mul3A_316 = arith.constant 16 : i32
          %mul3A_317 = arith.muli %while3A_312, %mul3A_316 : i32
          %add3A_318 = arith.constant 2560 : i32
          %add3A_319 = arith.addi %add3A_318, %mul3A_317 : i32
          %swap3A_320 = arith.index_cast %add3A_319 : i32 to index
          %swap3A_321 = tpu.vector_load %arg10[%swap3A_320] {strides = array<i32>} : memref<5120xi32, #tpu.memory_space<vmem>>, vector<16xi32>,
          tpu.vector_store %arg10[%swap3A_320], %add3A_32 {strides = array<i32>} : memref<5120xi32, #tpu.memory_space<vmem>>, vector<16xi32>,
        }
        %while3A_299 = arith.constant 160 : i32
        %while3A_300 = arith.subi %while3A_299, %min3A_276 : i32
        %while3A_301 = arith.addi %min3A_276, %while3A_300 : i32
        %while3A_302 = arith.constant 1 : i32
        %while3A_303 = arith.divsi %while3A_300, %while3A_302 : i32
        %while3A_304 = arith.muli %while3A_303, %while3A_302 : i32
        %while3A_305 = arith.addi %min3A_276, %while3A_304 : i32
        %while3A_306 = arith.constant 1 : i32
        scf.for %while3A_312 = %min3A_276 to %while3A_305 step %while3A_306  : i32 {
          %mul3A_313 = arith.constant 16 : i32
          %mul3A_314 = arith.muli %while3A_312, %mul3A_313 : i32
          %swap3A = arith.index_cast %mul3A_314 : i32 to index
          %swap3A_315 = tpu.vector_load %arg10[%swap3A] {strides = array<i32>} : memref<5120xi32, #tpu.memory_space<vmem>>, vector<16xi32>,
          tpu.vector_store %arg10[%swap3A], %add3A_32 {strides = array<i32>} : memref<5120xi32, #tpu.memory_space<vmem>>, vector<16xi32>,
          %mul3A_316 = arith.constant 16 : i32
          %mul3A_317 = arith.muli %while3A_312, %mul3A_316 : i32
          %add3A_318 = arith.constant 2560 : i32
          %add3A_319 = arith.addi %add3A_318, %mul3A_317 : i32
          %swap3A_320 = arith.index_cast %add3A_319 : i32 to index
          %swap3A_321 = tpu.vector_load %arg10[%swap3A_320] {strides = array<i32>} : memref<5120xi32, #tpu.memory_space<vmem>>, vector<16xi32>,
          tpu.vector_store %arg10[%swap3A_320], %add3A_32 {strides = array<i32>} : memref<5120xi32, #tpu.memory_space<vmem>>, vector<16xi32>,
        }
        %while3A_307 = arith.constant 1 : i32
        scf.for %while3A_312 = %while3A_305 to %while3A_301 step %while3A_307  : i32 {
          %mul3A_313 = arith.constant 16 : i32
          %mul3A_314 = arith.muli %while3A_312, %mul3A_313 : i32
          %swap3A = arith.index_cast %mul3A_314 : i32 to index
          %swap3A_315 = tpu.vector_load %arg10[%swap3A] {strides = array<i32>} : memref<5120xi32, #tpu.memory_space<vmem>>, vector<16xi32>,
          tpu.vector_store %arg10[%swap3A], %add3A_32 {strides = array<i32>} : memref<5120xi32, #tpu.memory_space<vmem>>, vector<16xi32>,
          %mul3A_316 = arith.constant 16 : i32
          %mul3A_317 = arith.muli %while3A_312, %mul3A_316 : i32
          %add3A_318 = arith.constant 2560 : i32
          %add3A_319 = arith.addi %add3A_318, %mul3A_317 : i32
          %swap3A_320 = arith.index_cast %add3A_319 : i32 to index
          %swap3A_321 = tpu.vector_load %arg10[%swap3A_320] {strides = array<i32>} : memref<5120xi32, #tpu.memory_space<vmem>>, vector<16xi32>,
          tpu.vector_store %arg10[%swap3A_320], %add3A_32 {strides = array<i32>} : memref<5120xi32, #tpu.memory_space<vmem>>, vector<16xi32>,
        }
        %dma_start3A_308 = arith.constant 0 : i32
        %dma_start3A_309 = tpu.memref_slice %arg6[%dma_start3A_308] : memref<665728xf32, #tpu.memory_space<vmem_shared>> -> memref<665728xf32, #tpu.memory_space<vmem_shared>>
        tpu.enqueue_indirect_dma source(%arg12 : memref<5120xf32, #tpu.memory_space<vmem>>) target(%dma_start3A_309 : memref<665728xf32, #tpu.memory_space<vmem_shared>>) offsets(%arg10 : memref<5120xi32, #tpu.memory_space<vmem>>) semaphore(%arg15 : memref<!tpu.dma_semaphore, #tpu.memory_space<semaphore_mem>>) {add = true}
        %dma_wait3A_310 = arith.constant 0 : i32
        %dma_wait3A_311 = tpu.memref_slice %arg6[%dma_wait3A_310] : memref<665728xf32, #tpu.memory_space<vmem_shared>> -> memref<665728xf32, #tpu.memory_space<vmem_shared>>
        tpu.wait_indirect_dma semaphore(%arg15 : memref<!tpu.dma_semaphore, #tpu.memory_space<semaphore_mem>>) src(%arg12 : memref<5120xf32, #tpu.memory_space<vmem>>) dst(%dma_wait3A_311 : memref<665728xf32, #tpu.memory_space<vmem_shared>>)
      } else {
      }
    }
    %scan3A_129 = arith.constant 3 : i32
    %dma_wait3A = arith.constant 0 : i32
    %dma_wait3A_130 = tpu.memref_slice %arg6[%dma_wait3A] : memref<665728xf32, #tpu.memory_space<vmem_shared>> -> memref<665728xf32, #tpu.memory_space<vmem_shared>>
    tpu.wait_indirect_dma semaphore(%arg15 : memref<!tpu.dma_semaphore, #tpu.memory_space<semaphore_mem>>) src(%arg12 : memref<5120xf32, #tpu.memory_space<vmem>>) dst(%dma_wait3A_130 : memref<665728xf32, #tpu.memory_space<vmem_shared>>)
    %barrier3A_131 = arith.constant 0 : index
    tpu.barrier barrier_id(%barrier3A_131)
    %mul3A_132 = arith.constant 4 : i32
    %mul3A_133 = arith.muli %arg1, %mul3A_132 : i32
    %add3A_134 = arith.constant 0 : i32
    %add3A_135 = arith.addi %mul3A_133, %add3A_134 : i32
    %add3A_136 = arith.constant 1 : i32
    %add3A_137 = arith.addi %add3A_136, %add3A_135 : i32
    %mul3A_138 = arith.constant 10240 : i32
    %mul3A_139 = arith.muli %add3A_137, %mul3A_138 : i32
    "tpu.region"() ({
      %run_scoped3A = tpu.sem_alloc : memref<!tpu.dma_semaphore, #tpu.memory_space<semaphore_mem>>
      %dma_start3A_167 = arith.constant 0 : i32
      %dma_start3A_168 = tpu.memref_slice %arg4[%arg0, %add3A_135, %dma_start3A_167] : memref<2x64x10240xf32, #tpu.memory_space<hbm>> -> memref<1x1x10240xf32, #tpu.memory_space<hbm>>
      %dma_start3A_169 = tpu.memref_squeeze %dma_start3A_168 : memref<1x1x10240xf32, #tpu.memory_space<hbm>> -> memref<10240xf32, #tpu.memory_space<hbm>>
      %dma_start3A_170 = tpu.memref_slice %arg6[%mul3A_139] : memref<665728xf32, #tpu.memory_space<vmem_shared>> -> memref<10240xf32, #tpu.memory_space<vmem_shared>>
      tpu.enqueue_dma source(%dma_start3A_170 : memref<10240xf32, #tpu.memory_space<vmem_shared>>) target(%dma_start3A_169 : memref<10240xf32, #tpu.memory_space<hbm>>) target_semaphore(%run_scoped3A : memref<!tpu.dma_semaphore, #tpu.memory_space<semaphore_mem>>)
      %dma_wait3A_171 = arith.constant 0 : i32
      %dma_wait3A_172 = tpu.memref_slice %arg4[%arg0, %add3A_135, %dma_wait3A_171] : memref<2x64x10240xf32, #tpu.memory_space<hbm>> -> memref<1x1x10240xf32, #tpu.memory_space<hbm>>
      %dma_wait3A_173 = tpu.memref_squeeze %dma_wait3A_172 : memref<1x1x10240xf32, #tpu.memory_space<hbm>> -> memref<10240xf32, #tpu.memory_space<hbm>>
      %dma_wait3A_174 = tpu.memref_slice %arg6[%mul3A_139] : memref<665728xf32, #tpu.memory_space<vmem_shared>> -> memref<10240xf32, #tpu.memory_space<vmem_shared>>
      tpu.wait_dma2 semaphore(%run_scoped3A : memref<!tpu.dma_semaphore, #tpu.memory_space<semaphore_mem>>) src(%dma_wait3A_174 : memref<10240xf32, #tpu.memory_space<vmem_shared>>) dst(%dma_wait3A_173 : memref<10240xf32, #tpu.memory_space<hbm>>)
      tpu.yield
    }) : () -> ()
    %mul3A_140 = arith.constant 4 : i32
    %mul3A_141 = arith.muli %arg1, %mul3A_140 : i32
    %add3A_142 = arith.constant 1 : i32
    %add3A_143 = arith.addi %mul3A_141, %add3A_142 : i32
    %add3A_144 = arith.constant 1 : i32
    %add3A_145 = arith.addi %add3A_144, %add3A_143 : i32
    %mul3A_146 = arith.constant 10240 : i32
    %mul3A_147 = arith.muli %add3A_145, %mul3A_146 : i32
    "tpu.region"() ({
      %run_scoped3A = tpu.sem_alloc : memref<!tpu.dma_semaphore, #tpu.memory_space<semaphore_mem>>
      %dma_start3A_167 = arith.constant 0 : i32
      %dma_start3A_168 = tpu.memref_slice %arg4[%arg0, %add3A_143, %dma_start3A_167] : memref<2x64x10240xf32, #tpu.memory_space<hbm>> -> memref<1x1x10240xf32, #tpu.memory_space<hbm>>
      %dma_start3A_169 = tpu.memref_squeeze %dma_start3A_168 : memref<1x1x10240xf32, #tpu.memory_space<hbm>> -> memref<10240xf32, #tpu.memory_space<hbm>>
      %dma_start3A_170 = tpu.memref_slice %arg6[%mul3A_147] : memref<665728xf32, #tpu.memory_space<vmem_shared>> -> memref<10240xf32, #tpu.memory_space<vmem_shared>>
      tpu.enqueue_dma source(%dma_start3A_170 : memref<10240xf32, #tpu.memory_space<vmem_shared>>) target(%dma_start3A_169 : memref<10240xf32, #tpu.memory_space<hbm>>) target_semaphore(%run_scoped3A : memref<!tpu.dma_semaphore, #tpu.memory_space<semaphore_mem>>)
      %dma_wait3A_171 = arith.constant 0 : i32
      %dma_wait3A_172 = tpu.memref_slice %arg4[%arg0, %add3A_143, %dma_wait3A_171] : memref<2x64x10240xf32, #tpu.memory_space<hbm>> -> memref<1x1x10240xf32, #tpu.memory_space<hbm>>
      %dma_wait3A_173 = tpu.memref_squeeze %dma_wait3A_172 : memref<1x1x10240xf32, #tpu.memory_space<hbm>> -> memref<10240xf32, #tpu.memory_space<hbm>>
      %dma_wait3A_174 = tpu.memref_slice %arg6[%mul3A_147] : memref<665728xf32, #tpu.memory_space<vmem_shared>> -> memref<10240xf32, #tpu.memory_space<vmem_shared>>
      tpu.wait_dma2 semaphore(%run_scoped3A : memref<!tpu.dma_semaphore, #tpu.memory_space<semaphore_mem>>) src(%dma_wait3A_174 : memref<10240xf32, #tpu.memory_space<vmem_shared>>) dst(%dma_wait3A_173 : memref<10240xf32, #tpu.memory_space<hbm>>)
      tpu.yield
    }) : () -> ()
    %mul3A_148 = arith.constant 4 : i32
    %mul3A_149 = arith.muli %arg1, %mul3A_148 : i32
    %add3A_150 = arith.constant 2 : i32
    %add3A_151 = arith.addi %mul3A_149, %add3A_150 : i32
    %add3A_152 = arith.constant 1 : i32
    %add3A_153 = arith.addi %add3A_152, %add3A_151 : i32
    %mul3A_154 = arith.constant 10240 : i32
    %mul3A_155 = arith.muli %add3A_153, %mul3A_154 : i32
    "tpu.region"() ({
      %run_scoped3A = tpu.sem_alloc : memref<!tpu.dma_semaphore, #tpu.memory_space<semaphore_mem>>
      %dma_start3A_167 = arith.constant 0 : i32
      %dma_start3A_168 = tpu.memref_slice %arg4[%arg0, %add3A_151, %dma_start3A_167] : memref<2x64x10240xf32, #tpu.memory_space<hbm>> -> memref<1x1x10240xf32, #tpu.memory_space<hbm>>
      %dma_start3A_169 = tpu.memref_squeeze %dma_start3A_168 : memref<1x1x10240xf32, #tpu.memory_space<hbm>> -> memref<10240xf32, #tpu.memory_space<hbm>>
      %dma_start3A_170 = tpu.memref_slice %arg6[%mul3A_155] : memref<665728xf32, #tpu.memory_space<vmem_shared>> -> memref<10240xf32, #tpu.memory_space<vmem_shared>>
      tpu.enqueue_dma source(%dma_start3A_170 : memref<10240xf32, #tpu.memory_space<vmem_shared>>) target(%dma_start3A_169 : memref<10240xf32, #tpu.memory_space<hbm>>) target_semaphore(%run_scoped3A : memref<!tpu.dma_semaphore, #tpu.memory_space<semaphore_mem>>)
      %dma_wait3A_171 = arith.constant 0 : i32
      %dma_wait3A_172 = tpu.memref_slice %arg4[%arg0, %add3A_151, %dma_wait3A_171] : memref<2x64x10240xf32, #tpu.memory_space<hbm>> -> memref<1x1x10240xf32, #tpu.memory_space<hbm>>
      %dma_wait3A_173 = tpu.memref_squeeze %dma_wait3A_172 : memref<1x1x10240xf32, #tpu.memory_space<hbm>> -> memref<10240xf32, #tpu.memory_space<hbm>>
      %dma_wait3A_174 = tpu.memref_slice %arg6[%mul3A_155] : memref<665728xf32, #tpu.memory_space<vmem_shared>> -> memref<10240xf32, #tpu.memory_space<vmem_shared>>
      tpu.wait_dma2 semaphore(%run_scoped3A : memref<!tpu.dma_semaphore, #tpu.memory_space<semaphore_mem>>) src(%dma_wait3A_174 : memref<10240xf32, #tpu.memory_space<vmem_shared>>) dst(%dma_wait3A_173 : memref<10240xf32, #tpu.memory_space<hbm>>)
      tpu.yield
    }) : () -> ()
    %mul3A_156 = arith.constant 4 : i32
    %mul3A_157 = arith.muli %arg1, %mul3A_156 : i32
    %add3A_158 = arith.constant 3 : i32
    %add3A_159 = arith.addi %mul3A_157, %add3A_158 : i32
    %add3A_160 = arith.constant 1 : i32
    %add3A_161 = arith.addi %add3A_160, %add3A_159 : i32
    %mul3A_162 = arith.constant 10240 : i32
    %mul3A_163 = arith.muli %add3A_161, %mul3A_162 : i32
    "tpu.region"() ({
      %run_scoped3A = tpu.sem_alloc : memref<!tpu.dma_semaphore, #tpu.memory_space<semaphore_mem>>
      %dma_start3A_167 = arith.constant 0 : i32
      %dma_start3A_168 = tpu.memref_slice %arg4[%arg0, %add3A_159, %dma_start3A_167] : memref<2x64x10240xf32, #tpu.memory_space<hbm>> -> memref<1x1x10240xf32, #tpu.memory_space<hbm>>
      %dma_start3A_169 = tpu.memref_squeeze %dma_start3A_168 : memref<1x1x10240xf32, #tpu.memory_space<hbm>> -> memref<10240xf32, #tpu.memory_space<hbm>>
      %dma_start3A_170 = tpu.memref_slice %arg6[%mul3A_163] : memref<665728xf32, #tpu.memory_space<vmem_shared>> -> memref<10240xf32, #tpu.memory_space<vmem_shared>>
      tpu.enqueue_dma source(%dma_start3A_170 : memref<10240xf32, #tpu.memory_space<vmem_shared>>) target(%dma_start3A_169 : memref<10240xf32, #tpu.memory_space<hbm>>) target_semaphore(%run_scoped3A : memref<!tpu.dma_semaphore, #tpu.memory_space<semaphore_mem>>)
      %dma_wait3A_171 = arith.constant 0 : i32
      %dma_wait3A_172 = tpu.memref_slice %arg4[%arg0, %add3A_159, %dma_wait3A_171] : memref<2x64x10240xf32, #tpu.memory_space<hbm>> -> memref<1x1x10240xf32, #tpu.memory_space<hbm>>
      %dma_wait3A_173 = tpu.memref_squeeze %dma_wait3A_172 : memref<1x1x10240xf32, #tpu.memory_space<hbm>> -> memref<10240xf32, #tpu.memory_space<hbm>>
      %dma_wait3A_174 = tpu.memref_slice %arg6[%mul3A_163] : memref<665728xf32, #tpu.memory_space<vmem_shared>> -> memref<10240xf32, #tpu.memory_space<vmem_shared>>
      tpu.wait_dma2 semaphore(%run_scoped3A : memref<!tpu.dma_semaphore, #tpu.memory_space<semaphore_mem>>) src(%dma_wait3A_174 : memref<10240xf32, #tpu.memory_space<vmem_shared>>) dst(%dma_wait3A_173 : memref<10240xf32, #tpu.memory_space<hbm>>)
      tpu.yield
    }) : () -> ()
    %eq3A_164 = arith.constant 0 : i32
    %eq3A_165 = arith.cmpi eq, %arg1, %eq3A_164 : i32
    %convert_element_type3A = arith.extui %eq3A_165 : i1 to i32
    %cond3A = arith.constant 0 : i32
    %cond3A_166 = arith.cmpi ne, %convert_element_type3A, %cond3A : i32
    scf.if %cond3A_166 {
      %run_scoped3A = arith.constant 0 : i32
      "tpu.region"() ({
        %run_scoped3A_167 = tpu.sem_alloc : memref<!tpu.dma_semaphore, #tpu.memory_space<semaphore_mem>>
        %dma_start3A_168 = arith.constant 0 : i32
        %dma_start3A_169 = tpu.memref_slice %arg5[%arg0, %run_scoped3A, %dma_start3A_168] : memref<2x1x10240xf32, #tpu.memory_space<hbm>> -> memref<1x1x10240xf32, #tpu.memory_space<hbm>>
        %dma_start3A_170 = tpu.memref_squeeze %dma_start3A_169 : memref<1x1x10240xf32, #tpu.memory_space<hbm>> -> memref<10240xf32, #tpu.memory_space<hbm>>
        %dma_start3A_171 = arith.constant 0 : i32
        %dma_start3A_172 = tpu.memref_slice %arg6[%dma_start3A_171] : memref<665728xf32, #tpu.memory_space<vmem_shared>> -> memref<10240xf32, #tpu.memory_space<vmem_shared>>
        tpu.enqueue_dma source(%dma_start3A_172 : memref<10240xf32, #tpu.memory_space<vmem_shared>>) target(%dma_start3A_170 : memref<10240xf32, #tpu.memory_space<hbm>>) target_semaphore(%run_scoped3A_167 : memref<!tpu.dma_semaphore, #tpu.memory_space<semaphore_mem>>)
        %dma_wait3A_173 = arith.constant 0 : i32
        %dma_wait3A_174 = tpu.memref_slice %arg5[%arg0, %run_scoped3A, %dma_wait3A_173] : memref<2x1x10240xf32, #tpu.memory_space<hbm>> -> memref<1x1x10240xf32, #tpu.memory_space<hbm>>
        %dma_wait3A_175 = tpu.memref_squeeze %dma_wait3A_174 : memref<1x1x10240xf32, #tpu.memory_space<hbm>> -> memref<10240xf32, #tpu.memory_space<hbm>>
        %dma_wait3A_176 = arith.constant 0 : i32
        %dma_wait3A_177 = tpu.memref_slice %arg6[%dma_wait3A_176] : memref<665728xf32, #tpu.memory_space<vmem_shared>> -> memref<10240xf32, #tpu.memory_space<vmem_shared>>
        tpu.wait_dma2 semaphore(%run_scoped3A_167 : memref<!tpu.dma_semaphore, #tpu.memory_space<semaphore_mem>>) src(%dma_wait3A_177 : memref<10240xf32, #tpu.memory_space<vmem_shared>>) dst(%dma_wait3A_175 : memref<10240xf32, #tpu.memory_space<hbm>>)
        tpu.yield
      }) : () -> ()
    } else {
    }
    return
  }
}

</mosaic_0001>

<sc_bundles>
// kernel: _sc_build_counts.3.cloned.1.call-start
scs
__scs_entry_jumppad:
0x0: {  	(pc) =	sbr.rel $0x88, $3  }
0x1: {  	(tag) =	ssettag $0x0;
	lr =	simm.s32 $0x1  }
0x2: {  	[smem:$0x3F9F] =	sst lr;
	_ =	strace $0xD0000000  }
0x3: {  	_ = 	snop  }
0x4: {  	_ = 	snop  }
0x5: {  	_ = 	snop  }
0x6: {  	_ = 	snop  }
0x7: {  	_ = 	snop  }
__scs_overlays_trampoline_lowered:
0x8: {  	[smem:$0x3FAE] =	sst s0  }
0x9: {  	[smem:$0x3FAF] =	sst s1  }
0xa: {  	[smem:$0x3FB0] =	sst s2  }
0xb: {  	[smem:$0x3FB1] =	sst s3  }
0xc: {  	[smem:$0x3FB2] =	sst s4  }
0xd: {  	[smem:$0x3FB3] =	sst s5  }
0xe: {  	[smem:$0x3FB4] =	sst s6  }
0xf: {  	[smem:$0x3FB5] =	sst s7  }
0x10: {  	[smem:$0x3FB6] =	sst s8  }
0x11: {  	[smem:$0x3FB7] =	sst s9;
	s0 =	simm.s32 @!p0 $0x0  }
0x12: {  	s1 =	sld [smem:$0x3F9D];
	s0 =	simm.s32 @p0 $0x1  }
0x13: {  	[smem:$0x3FB8] =	sst s0;
	s0 =	simm.s32 @!p1 $0x0  }
0x14: {  	s2 =	sld [smem:$0x3F9C];
	s0 =	simm.s32 @p1 $0x1  }
0x15: {  	[smem:$0x3FB9] =	sst s0;
	s0 =	simm.s32 @!p2 $0x0  }
0x16: {  	s3 =	sld [smem:$0x3FDB];
	s0 =	simm.s32 @p2 $0x1  }
0x17: {  	s4 =	simm.s32 $0x1BF5;
	[smem:$0x3FBB] =	sst s0  }
0x18: {  	s0 =	sld [smem:$0x3F9E];
	_ =	swait.ge [sflag:s4], $0x0  }
0x19: {  	s7 =	sld [smem:$0x3F9F]  }
0x1a: {  	s8 =	sadd.s32 $0xFFFFE003, lr  }
0x1b: {  	s9 =	sadd.s32 $0xFFFFFEF7, lr;
	s5 =	simm.s32 $0xFFFFFFFF;
	p2 =	slt.u32 s8, $0xFFFFF086  }
0x1c: {  	p1 =	slt.u32 s9, $0xF7A;
	s5 =	simm.s32 @!p2 $0x0  }
0x1d: {  	s5 =	simm.s32 @p1 $0x1;
	p0 =	seq.s32 s7, s2  }
0x1e: {  	s7 =	smul.u32 @!p0 $0xF7A, s2;
	p2 =	seq.s32 @!p0 s5, $0x0  }
0x1f: {  	s9 =	smul.u32 $0xF7A, s1;
	s8 =	simm.s32 @!p0 $0x1BF5;
	p2 =	por !p2, p0  }
0x20: {  	[sflag:s8] =	ssyncset.s32 @!p0 $0xFFFFF086;
	s6 =	sadd.s32 @!p0 s3, s7;
	s7 =	simm.s32 @!p0 $0x108  }
0x21: {  	s3 =	sadd.s32 s3, s9;
	s6 =	sadd.s32 @!p0 $0x88, s6;
	s7 =	simm.s32 @p2 $0x1082  }
0x22: {  	[simem:s7], [sflag:s8] =	dma.local @!p0 [hbm:s6], $0xF7A  }
0x23: {  	s9 =	sor.u32 $0xD0000000, s2;
	s6 =	simm.s32 $0x108;
	_ =	swait.ge @!p0 [sflag:s8], $0x0  }
0x24: {  	s3 =	sadd.s32 $0x88, s3;
	s6 =	simm.s32 @!p1 $0x1082;
	[sflag:s4] =	ssyncset.s32 $0xFFFFF086  }
0x25: {  	[simem:s6], [sflag:s4] =	dma.local [hbm:s3], $0xF7A  }
0x26: {  	[smem:$0x3F9F] =	sst s1;
	(tag) =	ssettag s2;
	_ =	strace s9  }
0x27: {  	s1 =	sld [smem:$0x3FAF]  }
0x28: {  	s2 =	sld [smem:$0x3FB0]  }
0x29: {  	s4 =	sld [smem:$0x3FB2]  }
0x2a: {  	p0 =	seq.s32 s5, $0x0;
	s5 =	sld [smem:$0x3FB3]  }
0x2b: {  	s6 =	sld [smem:$0x3FB4]  }
0x2c: {  	s7 =	sld [smem:$0x3FB5]  }
0x2d: {  	s3 =	simm.s32 $0x108;
	s8 =	sld [smem:$0x3FB6]  }
0x2e: {  	s3 =	simm.s32 @!p0 $0x1082;
	s9 =	sld [smem:$0x3FB7]  }
0x2f: {  	lr =	sadd.s32 s0, s3;
	s0 =	sld [smem:$0x3FAE]  }
0x30: {  	s3 =	sld [smem:$0x3FB1]  }
0x31: {  	[smem:$0x3FBA] =	sst s10  }
0x32: {  	s10 =	sld [smem:$0x3FB8];
	_ =	sdelay $0x3  }
0x33: {  	p0 =	seq.s32 s10, $0x1;
	s10 =	sld [smem:$0x3FBA];
	_ =	sdelay $0x3  }
0x34: {  	[smem:$0x3FBA] =	sst s10  }
0x35: {  	s10 =	sld [smem:$0x3FB9];
	_ =	sdelay $0x3  }
0x36: {  	p1 =	seq.s32 s10, $0x1;
	s10 =	sld [smem:$0x3FBA];
	_ =	sdelay $0x3  }
0x37: {  	[smem:$0x3FBA] =	sst s10  }
0x38: {  	s10 =	sld [smem:$0x3FBB]  }
0x39: {  	_ = 	snop;
	(pc) =	sbr.ind lr, $3  }
0x3a: {  	_ = 	snop  }
0x3b: {  	_ = 	snop  }
0x3c: {  	p2 =	seq.s32 s10, $0x1;
	s10 =	sld [smem:$0x3FBA]  }
0x3d: {  	_ =	shalt  }
0x3e: {  	_ =	shalt  }
0x3f: {  	_ =	shalt  }
0x40: {  	_ =	shalt  }
0x41: {  	_ =	shalt  }
0x42: {  	_ =	shalt  }
0x43: {  	_ =	shalt  }
0x44: {  	_ =	shalt  }
0x45: {  	_ =	shalt  }
0x46: {  	_ =	shalt  }
0x47: {  	_ =	shalt  }
0x48: {  	_ =	shalt  }
0x49: {  	_ =	shalt  }
0x4a: {  	_ =	shalt  }
0x4b: {  	_ =	shalt  }
0x4c: {  	_ =	shalt  }
0x4d: {  	_ =	shalt  }
0x4e: {  	_ =	shalt  }
0x4f: {  	_ =	shalt  }
0x50: {  	_ =	shalt  }
0x51: {  	_ =	shalt  }
0x52: {  	_ =	shalt  }
0x53: {  	_ =	shalt  }
0x54: {  	_ =	shalt  }
0x55: {  	_ =	shalt  }
0x56: {  	_ =	shalt  }
0x57: {  	_ =	shalt  }
0x58: {  	_ =	shalt  }
0x59: {  	_ =	shalt  }
0x5a: {  	_ =	shalt  }
0x5b: {  	_ =	shalt  }
0x5c: {  	_ =	shalt  }
0x5d: {  	_ =	shalt  }
0x5e: {  	_ =	shalt  }
0x5f: {  	_ =	shalt  }
0x60: {  	_ =	shalt  }
0x61: {  	_ =	shalt  }
0x62: {  	_ =	shalt  }
0x63: {  	_ =	shalt  }
0x64: {  	_ =	shalt  }
0x65: {  	_ =	shalt  }
0x66: {  	_ =	shalt  }
0x67: {  	_ =	shalt  }
0x68: {  	_ =	shalt  }
0x69: {  	_ =	shalt  }
0x6a: {  	_ =	shalt  }
0x6b: {  	_ =	shalt  }
0x6c: {  	_ =	shalt  }
0x6d: {  	_ =	shalt  }
0x6e: {  	_ =	shalt  }
0x6f: {  	_ =	shalt  }
0x70: {  	_ =	shalt  }
0x71: {  	_ =	shalt  }
0x72: {  	_ =	shalt  }
0x73: {  	_ =	shalt  }
0x74: {  	_ =	shalt  }
0x75: {  	_ =	shalt  }
0x76: {  	_ =	shalt  }
0x77: {  	_ =	shalt  }
0x78: {  	_ =	shalt  }
0x79: {  	_ =	shalt  }
0x7a: {  	_ =	shalt  }
0x7b: {  	_ =	shalt  }
0x7c: {  	_ =	shalt  }
0x7d: {  	_ =	shalt  }
0x7e: {  	_ =	shalt  }
0x7f: {  	_ =	shalt  }
0x80: {  	_ =	shalt  }
0x81: {  	_ =	shalt  }
0x82: {  	_ =	shalt  }
0x83: {  	_ =	shalt  }
0x84: {  	_ =	shalt  }
0x85: {  	_ =	shalt  }
0x86: {  	_ =	shalt  }
0x87: {  	_ =	shalt  }
.Lfunc_end0:
.L_simem_size_0:
called_computation_lowered:
.L_overlay_start_0:
0x88: {  	s2 =	sld [smem:$0x3FD9]  }
0x89: {  	s3 =	sld [smem:$0x3FFE];
	_ =	sdelay $0x1  }
0x8a: {  	s1 =	srdreg.scid  }
0x8b: {  	s0 =	sand.u32 $0x1, s1  }
0x8c: {  	s15 =	sshll.u32 s0, $0xA;
	s2 =	sadd.s32 s3, s2  }
0x8d: {  	s2 =	sadd.s32 s2, s15  }
0x8e: {  	[smem:$0x3FC6] =	sst s2  }
0x8f: {  	_ = 	snop  }
0x90: {  	s2 =	sld [smem:$0x3FD0];
	_ =	sdelay $0x1  }
0x91: {  	s16 =	sld [smem:$0x3FC9]  }
0x92: {  	s5 =	simm.s32 $0xA;
	s6 =	simm.s32 $0x10;
	s4 =	sld [smem:$0x3FC8]  }
0x93: {  	[smem:s6], [sflag:s5] =	dma.local [hbm:s2], $0x1  }
0x94: {  	_ =	swait.eq [sflag:s5], $0x1  }
0x95: {  	[sflag:s5] =	ssyncset.done $0x0  }
0x96: {  	s17 =	sld [smem:$0x10];
	[sflag:s5] =	ssyncadd.s32 $0xFFFFFFFF  }
0x97: {  	s18 =	sld [smem:$0x11];
	(tm) =	ssettm $0x1  }
0x98: {  	s19 =	sld [smem:$0x3FFB];
	_ =	sdelay $0x3  }
0x99: {  	_ =	strace s19  }
0x9a: {  	s6 =	sld [smem:$0x3FFC];
	_ =	sdelay $0x3  }
0x9b: {  	_ =	strace s6  }
0x9c: {  	s6 =	sld [smem:$0x3FFD];
	_ =	sdelay $0x3  }
0x9d: {  	_ =	strace s6  }
0x9e: {  	_ =	strace $0x8FFFFFFF  }
0x9f: {  	s20 =	sld [smem:$0x3FDB];
	_ =	sdelay $0x1  }
0xa0: {  	s7 =	simm.s32 $_scs_section_size  }
0xa1: {  	s8 =	simm.s32 $_size__tile_overlayer_lowered;
	s9 =	simm.s32 $_tile_overlayer_lowered  }
0xa2: {  	s23 =	simm.s32 $0x1BFF;
	s22 =	sshll.u32 s9, $0x1;
	s6 =	sadd.s32 s7, s20  }
0xa3: {  	s10 =	simm.s32 $0x0;
	s21 =	sshll.u32 s8, $0x1;
	s8 =	sadd.s32 s22, s6  }
0xa4: {  	[timem:s10], [sflag:s23] =	dma.local [hbm:s8], s21  }
0xa5: {  	_ =	swait.ge [sflag:s23], s21  }
0xa6: {  	s7 =	ssub.s32 $0x0, s21;
	[sflag:s23] =	ssyncset.done $0x0  }
0xa7: {  	[sflag:s23] =	ssyncadd.s32 s7;
	_ =	sdelay $0x1  }
0xa8: {  	s24 =	simm.s32 $0x1B8B  }
0xa9: {  	_ =	swait.ge [sflag:s24], $0x1  }
0xaa: {  	[sflag:s24] =	ssyncset.done $0x0  }
0xab: {  	s25 =	simm.s32 $0x1B8E;
	[sflag:s24] =	ssyncadd.s32 $0xFFFFFFFF  }
0xac: {  	s26 =	simm.s32 $execute0_lowered;
	[smem:$0x3FD2] =	sst s25  }
0xad: {  	s7 =	sshll.u32 s26, $0x1;
	_ =	strace $0x80000046;
	[dreg:$0x1] =	wrdreg $0xFFFFFFFF  }
0xae: {  	s28 =	simm.s32 $_size_execute0_lowered;
	s6 =	sadd.s32 s6, s7;
	[dreg:$0x0] =	wrdreg $0x0  }
0xaf: {  	s7 =	sshll.u32 s28, $0x1;
	[dreg:$0x2] =	wrdreg s6  }
0xb0: {  	[dreg:$0x3] =	wrdreg s7  }
0xb1: {  	[dreg:$0x4] =	wrdreg $0xC0  }
0xb2: {  	_ =	task [dreg:s10], $0x5FFFF  }
0xb3: {  	[dreg:$0x1] =	wrdreg $0xFFFFFFFF  }
0xb4: {  	[dreg:$0x0] =	wrdreg $0x60  }
0xb5: {  	[dreg:$0x2] =	wrdreg s16  }
0xb6: {  	[dreg:$0x3] =	wrdreg s4  }
0xb7: {  	[dreg:$0x4] =	wrdreg s17  }
0xb8: {  	[dreg:$0x5] =	wrdreg s18  }
0xb9: {  	[dreg:$0x6] =	wrdreg $0x0  }
0xba: {  	[dreg:$0x7] =	wrdreg $0x9  }
0xbb: {  	_ =	task.clear_ibuf [dreg:s10], $0x8FFFF;
	_ =	strace $0x90000046  }
0xbc: {  	s29 =	simm.s32 $0x9;
	_ =	strace $0x80000048  }
0xbd: {  	_ =	swait.ge [sflag:s29], $0x1  }
0xbe: {  	[sflag:s29] =	ssyncadd.s32 $0xFFFFFFFF  }
0xbf: {  	_ =	strace $0x90000048  }
0xc0: {  	_ =	sfence  }
0xc1: {  	s30 =	sld [smem:$0x0];
	_ =	sdelay $0x2  }
0xc2: {  	s31 =	sshll.u32 s1, $0xD;
	s1 =	sshrl.u32 s1, $0x2  }
0xc3: {  	s3 =	sand.u32 $0x4000, s31;
	s1 =	sadd.s32 s1, s30  }
0xc4: {  	s0 =	sor.u32 s3, s0;
	s1 =	sshll.u32 s1, $0x11  }
0xc5: {  	s0 =	sor.u32 s1, s0  }
0xc6: {  	s0 =	sadd.s32 $0x8F2B, s0  }
0xc7: {  	[sflag:s0] =	ssyncadd.remote.s32 $0x1  }
0xc8: {  	_ =	sfence.sel $0xFFFF  }
0xc9: {  	[dreg:$0x0] =	wrdreg $0xFFFFFFFF;
	(pc) =	sbr.abs _section_cstart, $3  }
0xca: {  	[dreg:$0x1] =	wrdreg $0xFFFFFFFF  }
0xcb: {  	_ =	task.clear_ibuf [dreg:s10], $0x2FFFF;
	_ =	strace $0x9FFFFFFF  }
0xcc: {  	(tm) =	ssettm $0x7FFFFFFF  }
0xcd: {  	_ =	shalt  }
tec
execute0_lowered:
.L_overlay_start_1:
0x0: {  	(tag) =	ssettag $0x1  }
0x1: {  	s0 =	rddreg [dreg:$0x0]  }
0x2: {  	s3 =	rddreg [dreg:$0x2]  }
0x3: {  	s2 =	srdreg.scid;
	s1 =	rddreg [dreg:$0x3]  }
0x4: {  	s18 =	stileid.u32;
	s4 =	rddreg [dreg:$0x4]  }
0x5: {  	s6 =	simm.s32 $0x0;
	s5 =	sand.u32 $0x1, s2;
	s9 =	smul.u32 $0x28A00, s18  }
0x6: {  	s17 =	sshll.u32 s18, $0x1;
	[smem:$0x7FF] =	sst s6;
	s28 =	smul.u32 $0x28000, s18  }
0x7: {  	s12 =	sshrl.u32 s18, $0x1;
	s14 =	sshll.u32 s18, $0x2;
	s21 =	smul.u32 $0xA0000, s5  }
0x8: {  	s15 =	sshll.u32 s18, $0x9;
	s26 =	sshllo.u32 s18, $0x2;
	s13 =	smul.u32 $0x14000, s12  }
0x9: {  	s2 =	sor.u32 s5, s17;
	s8 =	ssub.s32 $0x2, s5;
	s17 =	smul.u32 $0xA000, s26  }
0xa: {  	_ =	strace $0x80000047;
	s22 =	sand.u32 $0x200, s15;
	s5 =	smul.u32 $0x500, s5  }
0xb: {  	s23 =	sor.u32 $0x1, s14;
	s14 =	sor.u32 $0x2, s14;
	s7 =	smul.u32 $0x2710, s2  }
0xc: {  	s10 =	sshrl.u32 s8, $0x1;
	s9 =	sshrl.u32 s9, $0x2;
	s2 =	sshll.u32 s2, $0x2  }
0xd: {  	s16 =	sshll.u32 s23, $0x7;
	s15 =	smul.u32 $0xA000, s23;
	s25 =	sshll.u32 s14, $0x7  }
0xe: {  	s14 =	smul.u32 $0xA000, s14;
	s8 =	ssub.s32 s8, s10;
	s16 =	sand.u32 $0x280, s16  }
0xf: {  	s17 =	sshrl.u32 s17, $0x2;
	s1 =	sadd.s32 s1, s5;
	v0 =	vmov s2;
	s2 =	simm.s32 $0x3  }
0x10: {  	s5 =	simm.s32 $0xA288;
	s19 =	sand.u32 $0x7FF80, s7;
	s15 =	sshrl.u32 s15, $0x2  }
0x11: {  	s14 =	sshrl.u32 s14, $0x2;
	s29 =	sadd.s32 s17, s4;
	[dreg:$0xc] =	wrdreg s1  }
0x12: {  	s17 =	smax.u32 s8, $0x1;
	s6 =	smin.u32 s19, $0x4BA00;
	s19 =	sadd.s32 s9, s4  }
0x13: {  	s15 =	sadd.s32 s15, s4;
	[dreg:$0xd] =	wrdreg s17;
	s23 =	sshrl.u32 s29, $0x3  }
0x14: {  	s14 =	sadd.s32 s14, s4;
	s17 =	simm.s32 $0x80;
	[dreg:$0x12] =	wrdreg s23  }
0x15: {  	s7 =	ssub.s32 s7, s6;
	s20 =	sshrl.u32 s6, $0x2;
	[dreg:$0x6] =	wrdreg s19  }
0x16: {  	s9 =	sadd.s32 s0, s20;
	s10 =	sshra.s32 s7, $0x4;
	s11 =	sadd.s32 $0x2710, s7  }
0x17: {  	s20 =	sadd.s32 $0x2080, s19;
	s29 =	sadd.s32 $0xF208, s7;
	[dreg:$0x7] =	wrdreg s9  }
0x18: {  	s12 =	sshra.s32 s11, $0x4;
	s9 =	sadd.s32 s21, s13;
	[dreg:$0xe] =	wrdreg s20  }
0x19: {  	p2 =	slt.s32 s10, $0xA0;
	p1 =	slt.s32 s10, $0x1;
	s21 =	sshrl.u32 s15, $0x3  }
0x1a: {  	[dreg:$0x17] =	wrdreg s29;
	s15 =	simm.s32 $0x11A08;
	p0 =	slt.s32 s12, $0xA0  }
0x1b: {  	s13 =	sor.u32 s22, s9;
	s24 =	sor.u32 s9, s16;
	s16 =	sshll.u32 s26, $0x7  }
0x1c: {  	[dreg:$0x10] =	wrdreg s21;
	s22 =	sshrl.u32 s14, $0x3;
	s26 =	sadd.s32 $0x6180, s19  }
0x1d: {  	s14 =	simm.s32 $0xF208;
	s21 =	simm.s32 $0x10608;
	s13 =	sshrl.u32 s13, $0x3  }
0x1e: {  	s12 =	simm.s32 @!p0 $0xA0;
	[dreg:$0x11] =	wrdreg s22;
	s13 =	sadd.s32 s3, s13  }
0x1f: {  	s16 =	sand.u32 $0x380, s16;
	[dreg:$0x8] =	wrdreg s13;
	s13 =	sshrl.u32 s24, $0x3  }
0x20: {  	[dreg:$0x15] =	wrdreg s26;
	s22 =	simm.s32 $0x0;
	s13 =	sadd.s32 s3, s13  }
0x21: {  	s31 =	sshll.u32 s12, $0x6;
	[dreg:$0x9] =	wrdreg s13;
	s13 =	sand.u32 $0x300, s25  }
0x22: {  	s25 =	sadd.s32 $0x4100, s19;
	s13 =	sor.u32 s9, s13;
	s9 =	sor.u32 s9, s16  }
0x23: {  	s16 =	sshrl.u32 s28, $0x2;
	[dreg:$0x14] =	wrdreg s25;
	s28 =	sadd.s32 $0x8200, s19  }
0x24: {  	s19 =	simm.s32 $0xB688;
	s13 =	sshrl.u32 s13, $0x3;
	s30 =	sadd.s32 s16, s4  }
0x25: {  	s16 =	sshra.s32 s31, $0x2;
	[dreg:$0x16] =	wrdreg s28;
	s31 =	sshll.u32 s12, $0x4  }
0x26: {  	s9 =	sshrl.u32 s9, $0x3;
	s13 =	sadd.s32 s3, s13;
	[dreg:$0x19] =	wrdreg s31  }
0x27: {  	s3 =	sadd.s32 s3, s9;
	s1 =	sadd.s32 $0xF208, s16;
	[dreg:$0xa] =	wrdreg s13  }
0x28: {  	s9 =	simm.s32 $0x1;
	s16 =	simm.s32 $0x2;
	[dreg:$0xb] =	wrdreg s3  }
.Ltmp0:
0x29: {  	s3 =	sadd.s32 $0xA000, s30;
	[dreg:$0xf] =	wrdreg s1;
	(pc) =	sbr.rel .LBB2_1-.Ltmp0, $4  }
0x2a: {  	s1 =	simm.s32 @!p1 $0x0;
	s30 =	ssub.s32 $0xA0, s12;
	s13 =	simm.s32 $0x1400  }
0x2b: {  	v0 =	vor.u32 $0xA2800, v0;
	s1 =	simm.s32 @p1 $0x1;
	p1 =	sne.s32 s18, $0x0;
	[dreg:$0x18] =	wrdreg s30  }
0x2c: {  	v0 =	vbroadcast v0, $0x0;
	s24 =	sshrl.u32 s3, $0x3;
	s3 =	simm.s32 $0x12E08;
	[smem:$0x7FD] =	sst s1  }
0x2d: {  	v1 =	vimm.f32 $0.0e+00;
	v2 =	vimm.f32 $1.000000000e+00;
	v3 =	vlaneseq.u32;
	s18 =	simm.s32 $0x10;
	[dreg:$0x13] =	wrdreg s24;
	s1 =	simm.s32 $0xCA88  }
.LBB2_47:
0x2e: {  	_ =	swait.ge [sflag:s16], $0x1400  }
0x2f: {  	[sflag:s16] =	ssyncset.done $0x0  }
0x30: {  	[sflag:s16] =	ssyncadd.s32 $0xFFFFEC00  }
0x31: {  	s8 =	stileid.u32;
	[bflag:$0x0] =	sbarrier.arrive $0xFFFF  }
0x32: {  	s8 =	sshll.u32 s8, $0x6;
	s20 =	rddreg [dreg:$0x8]  }
0x33: {  	s8 =	sor.u32 $0x1C03, s8;
	s23 =	rddreg [dreg:$0x10]  }
0x34: {  	[hbm:s20@s17], [sflag:s8] =	dma.strided [spmem:s23@s18], $0x500, s9, $0x10   }
0x35: {  	_ =	swait.ge [sflag:s2], $0x500  }
0x36: {  	[sflag:s2] =	ssyncset.done $0x0;
	s24 =	rddreg [dreg:$0x9]  }
0x37: {  	s25 =	rddreg [dreg:$0x11];
	[sflag:s2] =	ssyncadd.s32 $0xFFFFFB00  }
0x38: {  	[hbm:s24@s17], [sflag:s8] =	dma.strided [spmem:s25@s18], $0x500, s9, $0x10   }
0x39: {  	_ =	swait.ge [sflag:s2], $0x500  }
0x3a: {  	[sflag:s2] =	ssyncset.done $0x0;
	s26 =	rddreg [dreg:$0xa]  }
0x3b: {  	s28 =	rddreg [dreg:$0x12];
	[sflag:s2] =	ssyncadd.s32 $0xFFFFFB00  }
0x3c: {  	[hbm:s26@s17], [sflag:s8] =	dma.strided [spmem:s28@s18], $0x500, s9, $0x10   }
0x3d: {  	_ =	swait.ge [sflag:s2], $0x500  }
0x3e: {  	[sflag:s2] =	ssyncset.done $0x0;
	s29 =	rddreg [dreg:$0xb]  }
0x3f: {  	s30 =	rddreg [dreg:$0x13];
	[sflag:s2] =	ssyncadd.s32 $0xFFFFFB00  }
0x40: {  	[hbm:s29@s17], [sflag:s8] =	dma.strided [spmem:s30@s18], $0x500, s9, $0x10   }
0x41: {  	_ =	swait.ge [sflag:s2], $0x500  }
0x42: {  	[sflag:s2] =	ssyncset.done $0x0  }
0x43: {  	s20 =	sshrl.u32 @!p1 s4, $0x3;
	s23 =	rddreg [dreg:$0xc];
	[sflag:s2] =	ssyncadd.s32 $0xFFFFFB00  }
0x44: {  	[hbm:s23], [sflag:s8] =	dma.local @!p1 [spmem:s20], $0x500  }
0x45: {  	s8 =	simm.s32 @!p1 $0x3  }
0x46: {  	_ =	swait.ge @!p1 [sflag:s8], $0x500  }
0x47: {  	s22 =	sadd.s32 $0x1, s22;
	s31 =	rddreg [dreg:$0xd]  }
0x48: {  	p3 =	sne.s32 s22, s31  }
.Ltmp1:
0x49: {  	_ = 	snop;
	(pc) =	sbr.rel @!p3 .LBB2_48-.Ltmp1, $3  }
0x4a: {  	_ =	sdelay $0x1  }
0x4b: {  	[sflag:s8] =	ssyncset.done @!p1 $0x0  }
0x4c: {  	[sflag:s8] =	ssyncadd.s32 @!p1 $0xFFFFFB00  }
.LBB2_1:
0x4d: {  	s8 =	simm.s32 $0x0  }
.LBB2_2:
0x4e: {  	p3 =	sne.s32 s8, $0x81C0  }
.Ltmp2:
0x4f: {  	_ = 	snop;
	(pc) =	sbr.rel @p3 .LBB2_2-.Ltmp2, $3  }
0x50: {  	_ =	sdelay $0x1  }
0x51: {  	s20 =	sshra.s32 s8, $0x2  }
0x52: {  	s8 =	sadd.s32 $0x40, s8;
	[tilespmem:s20+$0x12E08] =	vst v1  }
0x53: {  	s8 =	simm.s32 $0x40;
	s20 =	simm.s32 $0x0  }
.LBB2_4:
0x54: {  	p3 =	sne.s32 s8, $0x4FC0;
	[tilespmem:s20+$0x11A08] =	vst v2;
	s20 =	smov.u32 s8;
	s8 =	sadd.s32 $0x40, s8  }
.Ltmp3:
0x55: {  	(pc) =	sbr.rel @p3 .LBB2_4-.Ltmp3, $2  }
0x56: {  	_ =	sdelay $0x2  }
0x57: {  	s20 =	sshra.s32 s20, $0x2  }
0x58: {  	[tilespmem:s20+$0x11A08] =	vst v2;
	s8 =	rddreg [dreg:$0x6]  }
0x59: {  	[spmem:s8] =	stream.linear.scatter [tilespmem:s3], [sflag:$0x1], $0x2080, $0x38;
	[tilespmem:$0x14E88] =	vst v63  }
0x5a: {  	s24 =	rddreg [dreg:$0xe]  }
0x5b: {  	[spmem:s24] =	stream.linear.scatter [tilespmem:s3], [sflag:$0x1], $0x2080, $0x38;
	[tilespmem:$0x14E88] =	vst v63  }
0x5c: {  	s25 =	rddreg [dreg:$0x14]  }
0x5d: {  	[spmem:s25] =	stream.linear.scatter [tilespmem:s3], [sflag:$0x1], $0x2080, $0x38;
	[tilespmem:$0x14E88] =	vst v63  }
0x5e: {  	s26 =	rddreg [dreg:$0x15]  }
0x5f: {  	[spmem:s26] =	stream.linear.scatter [tilespmem:s3], [sflag:$0x1], $0x2080, $0x38;
	[tilespmem:$0x14E88] =	vst v63  }
0x60: {  	s28 =	rddreg [dreg:$0x16]  }
0x61: {  	[spmem:s28] =	stream.linear.scatter [tilespmem:s3], [sflag:$0x1], $0x2080, $0x38;
	[tilespmem:$0x14E88] =	vst v63  }
0x62: {  	s29 =	rddreg [dreg:$0x1];
	s30 =	simm.s32 $0x0  }
0x63: {  	[tilespmem:s1], [sflag:$0x3] =	stream.linear.gather [hbm4b:s29+s30], $0x2780, $0x38;
	[tilespmem:$0x14E88] =	vst v63  }
0x64: {  	_ =	swait.ge [sflag:s2], $0x2780  }
0x65: {  	[sflag:s2] =	ssyncset.done $0x0  }
.Ltmp4:
0x66: {  	s31 =	rddreg [dreg:$0x7];
	[sflag:s2] =	ssyncadd.s32 $0xFFFFD880;
	(pc) =	sbr.rel @!p2 .LBB2_9-.Ltmp4, $4  }
0x67: {  	[tilespmem:s5], [sflag:$0x3] =	stream.linear.gather [hbm4b:s31+s30], $0x1400, $0x38;
	[tilespmem:$0x14E88] =	vst v63  }
0x68: {  	_ =	swait.ge [sflag:s2], $0x1400  }
0x69: {  	[sflag:s2] =	ssyncset.done $0x0  }
0x6a: {  	[sflag:s2] =	ssyncadd.s32 $0xFFFFEC00  }
0x6b: {  	v4 =	vmov s7  }
0x6c: {  	v5 =	vor.u32 s7, v3;
	v4 =	vshll.u32 v4, $0x1  }
0x6d: {  	v5 =	vand.u32 $0x7F, v5;
	v4 =	vand.u32 $0xFFFFFF00, v4  }
0x6e: {  	v5 =	vor.u32 v5, v4;
	_ =	sdelay $0x4  }
0x6f: {  	v4 =	vld.idx.msk [tilespmem:v5+s5+$0x0], $0xffff;
	_ =	sdelay $0x1  }
0x70: {  	s8 =	sadd.s32 $0x1, s10;
	v5 =	vor.u32 $0x80, v5  }
0x71: {  	p3 =	slt.s32 s8, s12  }
.Ltmp5:
0x72: {  	_ = 	snop;
	(pc) =	sbr.rel @!p3 .LBB2_7-.Ltmp5, $3  }
0x73: {  	_ =	sdelay $0x1  }
0x74: {  	v5 =	vld.idx.msk [tilespmem:v5+s5+$0x0], $0xffff  }
0x75: {  	s20 =	sadd.s32 $0x10, s7;
	p4 =	por $0x0, $0x0;
	v6 =	vld.idx.msk [tilespmem:v4+s1+$0x0], $0xffff  }
0x76: {  	_ = 	snop  }
0x77: {  	v7 =	vmov s20  }
0x78: {  	v8 =	vor.u32 s20, v3;
	v7 =	vshll.u32 v7, $0x1  }
0x79: {  	v8 =	vand.u32 $0x7F, v8;
	v7 =	vand.u32 $0xFFFFFF00, v7  }
0x7a: {  	v7 =	vor.u32 v8, v7;
	v6 =	vmul.u32 $0x2800, v6;
	_ =	sdelay $0x1  }
0x7b: {  	s25 =	rddreg [dreg:$0x17];
	v5 =	vadd.s32 v6, v5  }
0x7c: {  	s23 =	sand.u32 $0xFFFFFFF0, s7;
	[tilespmem:s25+$0x0] =	vst v4;
	v4 =	vadd.s32 $0x2800, v5  }
0x7d: {  	[tilespmem:s23+$0xFC08] =	vst v4  }
0x7e: {  	v4 =	vld.idx.msk [tilespmem:v7+s5+$0x0], $0xffff;
	_ =	sdelay $0x2  }
0x7f: {  	s23 =	sadd.s32 $0x1, s8  }
0x80: {  	v5 =	vor.u32 $0x80, v7;
	p3 =	slt.s32 s23, s12  }
.Ltmp6:
0x81: {  	_ = 	snop;
	(pc) =	sbr.rel @!p3 .LBB2_17-.Ltmp6, $3  }
0x82: {  	_ =	sdelay $0x1  }
0x83: {  	v6 =	vld.idx.msk [tilespmem:v4+s1+$0x0], $0xffff  }
0x84: {  	s24 =	sadd.s32 $0x10, s20;
	p4 =	por $0x1, $0x1;
	s8 =	smov.u32 s25;
	v5 =	vld.idx.msk [tilespmem:v5+s5+$0x0], $0xffff  }
.LBB2_18:
0x85: {  	v7 =	vmov s24;
	s23 =	sadd.s32 $0x1, s23  }
0x86: {  	v8 =	vor.u32 s24, v3;
	v7 =	vshll.u32 v7, $0x1;
	p3 =	slt.s32 s23, s12  }
0x87: {  	v8 =	vand.u32 $0x7F, v8;
	v7 =	vand.u32 $0xFFFFFF00, v7  }
0x88: {  	v6 =	vmul.u32 $0x2800, v6;
	v7 =	vor.u32 v8, v7;
	_ =	sdelay $0x1  }
0x89: {  	s8 =	sadd.s32 $0x10, s8;
	v5 =	vadd.s32 v6, v5  }
0x8a: {  	s25 =	sand.u32 $0xFFFFFFF0, s20;
	s20 =	smov.u32 s24;
	[tilespmem:s8+$0x0] =	vst v4;
	v4 =	vadd.s32 $0x2800, v5  }
0x8b: {  	[tilespmem:s25+$0xFC08] =	vst v4  }
0x8c: {  	v4 =	vld.idx.msk [tilespmem:v7+s5+$0x0], $0xffff;
	_ =	sdelay $0x4  }
0x8d: {  	v5 =	vor.u32 $0x80, v7  }
.Ltmp7:
0x8e: {  	(pc) =	sbr.rel @p3 .LBB2_18-.Ltmp7, $3  }
0x8f: {  	_ = 	snop  }
0x90: {  	v6 =	vld.idx.msk [tilespmem:v4+s1+$0x0], $0xffff;
	_ =	sdelay $0x1  }
0x91: {  	s24 =	sadd.s32 $0x10, s24;
	v5 =	vld.idx.msk [tilespmem:v5+s5+$0x0], $0xffff  }
.LBB2_19:
0x92: {  	_ =	sdelay $0x1  }
0x93: {  	v6 =	vmul.u32 $0x2800, v6  }
0x94: {  	s8 =	sadd.s32 @p4 $0x10, s8;
	s23 =	rddreg [dreg:$0x17]  }
0x95: {  	s23 =	smov.u32 @p4 s8;
	v5 =	vadd.s32 v6, v5  }
0x96: {  	s31 =	sand.u32 $0xFFFFFFF0, s20;
	[tilespmem:s23+$0x0] =	vst v4;
	v4 =	vadd.s32 $0x2800, v5  }
0x97: {  	[tilespmem:s31+$0xFC08] =	vst v4  }
0x98: {  	s8 =	sld [smem:$0x7FD];
	_ =	sdelay $0x2  }
0x99: {  	p3 =	seq.s32 s8, $0x1  }
.Ltmp8:
0x9a: {  	_ = 	snop;
	(pc) =	sbr.rel @p3 .LBB2_12-.Ltmp8, $1  }
0x9b: {  	_ =	sdelay $0x3  }
.LBB2_9:
0x9c: {  	p3 =	seq.s32 s10, $0x1  }
.Ltmp9:
0x9d: {  	_ = 	snop;
	(pc) =	sbr.rel @p3 .LBB2_11-.Ltmp9, $3  }
0x9e: {  	_ =	sdelay $0x1  }
0x9f: {  	s8 =	simm.s32 $0x0;
	s20 =	simm.s32 $0xF208  }
0xa0: {  	s23 =	sadd.s32 $0xFFFFFFFF, s10;
	[tilespmem:s20+$0x0] =	vst v0;
	s24 =	sand.u32 $0xFFFFFFF0, s8  }
.LBB2_10:
0xa1: {  	p3 =	seq.s32 s23, $0x1;
	[tilespmem:s24+$0xFC08] =	vst v0;
	s8 =	sadd.s32 $0x10, s8;
	s20 =	sadd.s32 $0x10, s20  }
.Ltmp10:
0xa2: {  	s23 =	sadd.s32 $0xFFFFFFFF, s23;
	(pc) =	sbr.rel @!p3 .LBB2_10-.Ltmp10, $2  }
0xa3: {  	_ =	sdelay $0x2  }
0xa4: {  	s24 =	sand.u32 $0xFFFFFFF0, s8;
	[tilespmem:s20+$0x0] =	vst v0  }
.LBB2_11:
0xa5: {  	[tilespmem:s24+$0xFC08] =	vst v0  }
.LBB2_12:
.Ltmp11:
0xa6: {  	(pc) =	sbr.rel @!p0 .LBB2_13-.Ltmp11, $1  }
0xa7: {  	_ =	sdelay $0x3  }
0xa8: {  	s8 =	rddreg [dreg:$0x18]  }
0xa9: {  	p3 =	seq.s32 s8, $0x1  }
.Ltmp12:
0xaa: {  	_ = 	snop;
	(pc) =	sbr.rel @p3 .LBB2_22-.Ltmp12, $4  }
0xab: {  	_ = 	snop  }
0xac: {  	s23 =	rddreg [dreg:$0xf]  }
0xad: {  	s20 =	rddreg [dreg:$0x19]  }
0xae: {  	s8 =	sadd.s32 $0xFFFFFFFF, s8;
	[tilespmem:s23+$0x0] =	vst v0;
	s24 =	sand.u32 $0xFFFFFFF0, s20  }
.LBB2_21:
0xaf: {  	p3 =	seq.s32 s8, $0x1;
	[tilespmem:s24+$0xFC08] =	vst v0;
	s20 =	sadd.s32 $0x10, s20;
	s23 =	sadd.s32 $0x10, s23  }
.Ltmp13:
0xb0: {  	s8 =	sadd.s32 $0xFFFFFFFF, s8;
	(pc) =	sbr.rel @!p3 .LBB2_21-.Ltmp13, $2  }
0xb1: {  	_ =	sdelay $0x2  }
0xb2: {  	s24 =	sand.u32 $0xFFFFFFF0, s20;
	[tilespmem:s23+$0x0] =	vst v0  }
.LBB2_22:
0xb3: {  	[tilespmem:s24+$0xFC08] =	vst v0  }
.LBB2_13:
0xb4: {  	_ =	swait.ge [sflag:s9], $0x2080  }
0xb5: {  	[sflag:s9] =	ssyncset.done $0x0  }
0xb6: {  	[sflag:s9] =	ssyncadd.s32 $0xFFFFDF80  }
0xb7: {  	_ =	swait.ge [sflag:s9], $0x2080  }
0xb8: {  	[sflag:s9] =	ssyncset.done $0x0  }
0xb9: {  	[sflag:s9] =	ssyncadd.s32 $0xFFFFDF80  }
0xba: {  	_ =	swait.ge [sflag:s9], $0x2080  }
0xbb: {  	[sflag:s9] =	ssyncset.done $0x0  }
0xbc: {  	[sflag:s9] =	ssyncadd.s32 $0xFFFFDF80  }
0xbd: {  	_ =	swait.ge [sflag:s9], $0x2080  }
0xbe: {  	[sflag:s9] =	ssyncset.done $0x0  }
0xbf: {  	[sflag:s9] =	ssyncadd.s32 $0xFFFFDF80  }
.Ltmp14:
0xc0: {  	_ =	swait.ge [sflag:s9], $0x2080;
	(pc) =	sbr.rel .LBB2_14-.Ltmp14, $4  }
0xc1: {  	[sflag:s9] =	ssyncset.done $0x0  }
0xc2: {  	[sflag:s9] =	ssyncadd.s32 $0xFFFFDF80  }
0xc3: {  	s23 =	simm.s32 $0x0;
	[bflag:$0x0] =	sbarrier.arrive $0xFFFF  }
0xc4: {  	[spmem:s4] =	stream.indirect.scatter.add.f32 [tilespmem:s15], [sflag:$0x2], $0x1, s14, s13, $0xb8;
	[tilespmem:$0x14E88] =	vst v63  }
.LBB2_44:
0xc5: {  	[tilespmem:s25+$0xFC08] =	vst v0  }
.LBB2_45:
0xc6: {  	[spmem:s4] =	stream.indirect.scatter.add.f32 [tilespmem:s15], [sflag:$0x2], $0x1, s14, s13, $0xb8;
	[tilespmem:$0x14E88] =	vst v63  }
0xc7: {  	_ =	swait.ge [sflag:s16], $0x1400  }
0xc8: {  	[sflag:s16] =	ssyncset.done $0x0  }
0xc9: {  	[sflag:s16] =	ssyncadd.s32 $0xFFFFEC00  }
.LBB2_46:
0xca: {  	s23 =	sadd.s32 $0x1, s23  }
0xcb: {  	p3 =	sne.s32 s23, $0x3  }
.Ltmp15:
0xcc: {  	_ = 	snop;
	(pc) =	sbr.rel @!p3 .LBB2_47-.Ltmp15, $1  }
0xcd: {  	_ =	sdelay $0x3  }
.LBB2_14:
0xce: {  	s20 =	sand.u32 $0x1, s23  }
0xcf: {  	s8 =	smul.u32 $0xA00, s23;
	p4 =	seq.s32 s20, $0x0  }
.Ltmp16:
0xd0: {  	_ = 	snop;
	(pc) =	sbr.rel @p4 .LBB2_31-.Ltmp16, $4  }
0xd1: {  	s8 =	sadd.s32 $0xA00, s8  }
0xd2: {  	s24 =	sadd.s32 s6, s8  }
0xd3: {  	s8 =	ssub.s32 s11, s8;
	s24 =	sshrl.u32 s24, $0x2  }
0xd4: {  	s20 =	sshra.s32 s8, $0x4;
	s25 =	sadd.s32 s0, s24  }
.Ltmp17:
0xd5: {  	(pc) =	sbr.rel .LBB2_28-.Ltmp17, $4  }
0xd6: {  	_ = 	snop  }
0xd7: {  	s20 =	sshra.s32 s8, $0x4  }
0xd8: {  	p3 =	slt.s32 s20, $0xA0;
	s24 =	smov.u32 s20  }
0xd9: {  	s24 =	simm.s32 @!p3 $0xA0  }
.LBB2_31:
0xda: {  	p5 =	sgt.s32 s20, $0x0  }
.Ltmp18:
0xdb: {  	s31 =	simm.s32 $0x0;
	(pc) =	sbr.rel @!p5 .LBB2_24-.Ltmp18, $4  }
0xdc: {  	[tilespmem:s19], [sflag:$0x3] =	stream.linear.gather [hbm4b:s25+s31], $0x1400, $0x38;
	[tilespmem:$0x14E88] =	vst v63  }
0xdd: {  	_ =	swait.ge [sflag:s2], $0x1400  }
0xde: {  	p3 =	slt.s32 s20, $0xA0;
	s24 =	smov.u32 s20;
	[sflag:s2] =	ssyncset.done $0x0  }
0xdf: {  	s26 =	simm.s32 $0x10608;
	s24 =	simm.s32 @!p3 $0xA0;
	[sflag:s2] =	ssyncadd.s32 $0xFFFFEC00  }
0xe0: {  	p3 =	seq.s32 s24, $0x1  }
.Ltmp19:
0xe1: {  	_ = 	snop;
	(pc) =	sbr.rel @p3 .LBB2_33-.Ltmp19, $2  }
0xe2: {  	_ =	sdelay $0x2  }
0xe3: {  	v7 =	vmov s31;
	s8 =	sadd.s32 $0xFFFFFFFF, s24;
	p5 =	por $0x0, $0x0;
	p6 =	por $0x0, $0x0  }
0xe4: {  	v4 =	vor.u32 s31, v3;
	v5 =	vshll.u32 v7, $0x1  }
0xe5: {  	v4 =	vand.u32 $0x7F, v4;
	v5 =	vand.u32 $0xFFFFFF00, v5  }
0xe6: {  	v5 =	vor.u32 v4, v5;
	_ =	sdelay $0x4  }
0xe7: {  	v4 =	vld.idx.msk [tilespmem:v5+s19+$0x0], $0xffff;
	_ =	sdelay $0x1  }
0xe8: {  	v6 =	vor.u32 $0x80, v5  }
0xe9: {  	p3 =	seq.s32 s8, $0x1  }
.Ltmp20:
0xea: {  	_ = 	snop;
	(pc) =	sbr.rel @p3 .LBB2_35-.Ltmp20, $3  }
0xeb: {  	_ =	sdelay $0x1  }
0xec: {  	s30 =	simm.s32 $0x10;
	v6 =	vld.idx.msk [tilespmem:v6+s19+$0x0], $0xffff  }
0xed: {  	s8 =	sadd.s32 $0xFFFFFFFF, s8;
	p5 =	por $0x1, $0x1;
	v7 =	vmov s30;
	v5 =	vld.idx.msk [tilespmem:v4+s1+$0x0], $0xffff  }
0xee: {  	_ =	sdelay $0x1  }
0xef: {  	v8 =	vor.u32 s30, v3;
	v7 =	vshll.u32 v7, $0x1  }
0xf0: {  	v8 =	vand.u32 $0x7F, v8;
	v7 =	vand.u32 $0xFFFFFF00, v7  }
0xf1: {  	v7 =	vor.u32 v8, v7;
	v5 =	vmul.u32 $0x2800, v5;
	_ =	sdelay $0x1  }
0xf2: {  	v5 =	vadd.s32 v5, v6  }
0xf3: {  	[tilespmem:s26+$0x0] =	vst v4;
	s28 =	sand.u32 $0xFFFFFFF0, s31;
	v4 =	vadd.s32 $0x2800, v5  }
0xf4: {  	[tilespmem:s28+$0x11008] =	vst v4  }
0xf5: {  	v4 =	vld.idx.msk [tilespmem:v7+s19+$0x0], $0xffff;
	_ =	sdelay $0x4  }
0xf6: {  	p3 =	seq.s32 s8, $0x1;
	v6 =	vor.u32 $0x80, v7  }
.Ltmp21:
0xf7: {  	_ = 	snop;
	(pc) =	sbr.rel @p3 .LBB2_37-.Ltmp21, $4  }
0xf8: {  	_ = 	snop  }
0xf9: {  	v5 =	vld.idx.msk [tilespmem:v4+s1+$0x0], $0xffff  }
0xfa: {  	s28 =	simm.s32 $0x20  }
0xfb: {  	s31 =	sadd.s32 $0xFFFFFFFF, s8;
	p6 =	por $0x1, $0x1;
	s8 =	simm.s32 $0x10608;
	v7 =	vmov s28;
	v6 =	vld.idx.msk [tilespmem:v6+s19+$0x0], $0xffff  }
.LBB2_38:
0xfc: {  	p3 =	seq.s32 s31, $0x1;
	v8 =	vor.u32 s28, v3;
	v7 =	vshll.u32 v7, $0x1  }
0xfd: {  	v8 =	vand.u32 $0x7F, v8;
	v7 =	vand.u32 $0xFFFFFF00, v7  }
0xfe: {  	v5 =	vmul.u32 $0x2800, v5;
	v7 =	vor.u32 v8, v7;
	_ =	sdelay $0x1  }
0xff: {  	s8 =	sadd.s32 $0x10, s8;
	v5 =	vadd.s32 v5, v6  }
0x100: {  	s29 =	sand.u32 $0xFFFFFFF0, s30;
	s30 =	smov.u32 s28;
	[tilespmem:s8+$0x0] =	vst v4;
	v4 =	vadd.s32 $0x2800, v5  }
0x101: {  	[tilespmem:s29+$0x11008] =	vst v4  }
0x102: {  	v4 =	vld.idx.msk [tilespmem:v7+s19+$0x0], $0xffff;
	_ =	sdelay $0x4  }
0x103: {  	v6 =	vor.u32 $0x80, v7;
	_ =	sdelay $0x1  }
.Ltmp22:
0x104: {  	(pc) =	sbr.rel @!p3 .LBB2_38-.Ltmp22, $3  }
0x105: {  	v5 =	vld.idx.msk [tilespmem:v4+s1+$0x0], $0xffff;
	_ =	sdelay $0x1  }
0x106: {  	s28 =	sadd.s32 $0x10, s28;
	v6 =	vld.idx.msk [tilespmem:v6+s19+$0x0], $0xffff  }
0x107: {  	s31 =	sadd.s32 $0xFFFFFFFF, s31;
	v7 =	vmov s28  }
0x108: {  	s31 =	smov.u32 s30  }
.LBB2_40:
0x109: {  	v8 =	vor.u32 s28, v3;
	v7 =	vshll.u32 v7, $0x1  }
0x10a: {  	v8 =	vand.u32 $0x7F, v8;
	v7 =	vand.u32 $0xFFFFFF00, v7  }
0x10b: {  	v5 =	vmul.u32 @p5 $0x2800, v5;
	v7 =	vor.u32 v8, v7  }
0x10c: {  	s8 =	sadd.s32 @p6 $0x10, s8;
	s29 =	simm.s32 $0x10608  }
0x10d: {  	s29 =	smov.u32 @p6 s8;
	v5 =	vadd.s32 @p5 v5, v6  }
0x10e: {  	s8 =	sand.u32 @p5 $0xFFFFFFF0, s31;
	[tilespmem:s29+$0x0] =	vst @p5 v4;
	v4 =	vadd.s32 @p5 $0x2800, v5  }
0x10f: {  	[tilespmem:s8+$0x11008] =	vst @p5 v4  }
0x110: {  	v4 =	vld.idx.msk [tilespmem:v7+s19+$0x0], $0xffff;
	_ =	sdelay $0x4  }
0x111: {  	v5 =	vor.u32 $0x80, v7;
	_ =	sdelay $0x2  }
0x112: {  	v63 =	vld.idx.msk [tilespmem:v4+s1+$0x0], $0xffff;
	_ =	sdelay $0x1  }
0x113: {  	v5 =	vld.idx.msk [tilespmem:v5+s19+$0x0], $0xffff;
	_ =	sdelay $0x2  }
0x114: {  	v6 =	vmul.u32 $0x2800, v63  }
0x115: {  	s8 =	sadd.s32 @p5 $0x10, s29  }
0x116: {  	s26 =	smov.u32 @p5 s8;
	v5 =	vadd.s32 v6, v5  }
0x117: {  	s31 =	sand.u32 $0xFFFFFFF0, s28;
	[tilespmem:s26+$0x0] =	vst v4;
	v4 =	vadd.s32 $0x2800, v5  }
0x118: {  	[tilespmem:s31+$0x11008] =	vst v4  }
0x119: {  	p3 =	sgt.u32 s20, $0x9F  }
.Ltmp23:
0x11a: {  	_ = 	snop;
	(pc) =	sbr.rel @p3 .LBB2_27-.Ltmp23, $1  }
0x11b: {  	_ =	sdelay $0x3  }
.LBB2_24:
0x11c: {  	s28 =	ssub.s32 $0xA0, s24  }
0x11d: {  	p3 =	sne.s32 s28, $0x1  }
.Ltmp24:
0x11e: {  	_ = 	snop;
	(pc) =	sbr.rel @!p3 .LBB2_26-.Ltmp24, $4  }
0x11f: {  	s8 =	sshll.u32 s24, $0x6  }
0x120: {  	s26 =	sshra.s32 s8, $0x2  }
0x121: {  	s8 =	sshll.u32 s24, $0x4;
	s26 =	sadd.s32 $0x10608, s26  }
0x122: {  	s28 =	sadd.s32 $0xFFFFFFFF, s28;
	s30 =	sand.u32 $0xFFFFFFF0, s8;
	[tilespmem:s26+$0x0] =	vst v0  }
.LBB2_25:
0x123: {  	p3 =	sne.s32 s28, $0x1;
	[tilespmem:s30+$0x11008] =	vst v0;
	s8 =	sadd.s32 $0x10, s8;
	s26 =	sadd.s32 $0x10, s26  }
.Ltmp25:
0x124: {  	s28 =	sadd.s32 $0xFFFFFFFF, s28;
	(pc) =	sbr.rel @p3 .LBB2_25-.Ltmp25, $2  }
0x125: {  	_ =	sdelay $0x2  }
0x126: {  	s30 =	sand.u32 $0xFFFFFFF0, s8;
	[tilespmem:s26+$0x0] =	vst v0  }
.LBB2_26:
0x127: {  	[tilespmem:s30+$0x11008] =	vst v0  }
.LBB2_27:
.Ltmp26:
0x128: {  	(pc) =	sbr.rel @p4 .LBB2_46-.Ltmp26, $4  }
0x129: {  	[spmem:s4] =	stream.indirect.scatter.add.f32 [tilespmem:s15], [sflag:$0x2], $0x1, s21, s13, $0xb8;
	[tilespmem:$0x14E88] =	vst v63  }
0x12a: {  	_ =	swait.ge [sflag:s16], $0x1400  }
0x12b: {  	[sflag:s16] =	ssyncset.done $0x0  }
0x12c: {  	[sflag:s16] =	ssyncadd.s32 $0xFFFFEC00  }
.LBB2_28:
0x12d: {  	p3 =	sgt.s32 s20, $0x0  }
.Ltmp27:
0x12e: {  	s30 =	simm.s32 $0x0;
	(pc) =	sbr.rel @!p3 .LBB2_42-.Ltmp27, $4  }
0x12f: {  	[tilespmem:s5], [sflag:$0x3] =	stream.linear.gather [hbm4b:s25+s30], $0x1400, $0x38;
	[tilespmem:$0x14E88] =	vst v63  }
0x130: {  	_ =	swait.ge [sflag:s2], $0x1400  }
0x131: {  	[sflag:s2] =	ssyncset.done $0x0  }
0x132: {  	s25 =	simm.s32 $0xF208;
	[sflag:s2] =	ssyncadd.s32 $0xFFFFEC00  }
0x133: {  	p3 =	seq.s32 s24, $0x1  }
.Ltmp28:
0x134: {  	_ = 	snop;
	(pc) =	sbr.rel @p3 .LBB2_30-.Ltmp28, $2  }
0x135: {  	_ =	sdelay $0x2  }
0x136: {  	v7 =	vmov s30;
	s8 =	sadd.s32 $0xFFFFFFFF, s24;
	p4 =	por $0x0, $0x0;
	p5 =	por $0x0, $0x0  }
0x137: {  	v4 =	vor.u32 s30, v3;
	v5 =	vshll.u32 v7, $0x1  }
0x138: {  	v4 =	vand.u32 $0x7F, v4;
	v5 =	vand.u32 $0xFFFFFF00, v5  }
0x139: {  	v5 =	vor.u32 v4, v5;
	_ =	sdelay $0x4  }
0x13a: {  	v4 =	vld.idx.msk [tilespmem:v5+s5+$0x0], $0xffff;
	_ =	sdelay $0x1  }
0x13b: {  	v6 =	vor.u32 $0x80, v5  }
0x13c: {  	p3 =	seq.s32 s8, $0x1  }
.Ltmp29:
0x13d: {  	_ = 	snop;
	(pc) =	sbr.rel @p3 .LBB2_50-.Ltmp29, $3  }
0x13e: {  	_ =	sdelay $0x1  }
0x13f: {  	s28 =	simm.s32 $0x10;
	v6 =	vld.idx.msk [tilespmem:v6+s5+$0x0], $0xffff  }
0x140: {  	s8 =	sadd.s32 $0xFFFFFFFF, s8;
	p4 =	por $0x1, $0x1;
	v7 =	vmov s28;
	v5 =	vld.idx.msk [tilespmem:v4+s1+$0x0], $0xffff  }
0x141: {  	_ =	sdelay $0x1  }
0x142: {  	v8 =	vor.u32 s28, v3;
	v7 =	vshll.u32 v7, $0x1  }
0x143: {  	v8 =	vand.u32 $0x7F, v8;
	v7 =	vand.u32 $0xFFFFFF00, v7  }
0x144: {  	v7 =	vor.u32 v8, v7;
	v5 =	vmul.u32 $0x2800, v5;
	_ =	sdelay $0x1  }
0x145: {  	v5 =	vadd.s32 v5, v6  }
0x146: {  	[tilespmem:s25+$0x0] =	vst v4;
	s26 =	sand.u32 $0x7FFFFFF0, s30;
	v4 =	vadd.s32 $0x2800, v5  }
0x147: {  	[tilespmem:s26+$0xFC08] =	vst v4  }
0x148: {  	v4 =	vld.idx.msk [tilespmem:v7+s5+$0x0], $0xffff;
	_ =	sdelay $0x4  }
0x149: {  	p3 =	seq.s32 s8, $0x1;
	v6 =	vor.u32 $0x80, v7  }
.Ltmp30:
0x14a: {  	_ = 	snop;
	(pc) =	sbr.rel @p3 .LBB2_52-.Ltmp30, $4  }
0x14b: {  	_ = 	snop  }
0x14c: {  	v5 =	vld.idx.msk [tilespmem:v4+s1+$0x0], $0xffff  }
0x14d: {  	s26 =	simm.s32 $0x20  }
0x14e: {  	s30 =	sadd.s32 $0xFFFFFFFF, s8;
	p5 =	por $0x1, $0x1;
	s8 =	simm.s32 $0xF208;
	v7 =	vmov s26;
	v6 =	vld.idx.msk [tilespmem:v6+s5+$0x0], $0xffff  }
.LBB2_53:
0x14f: {  	p3 =	seq.s32 s30, $0x1;
	v8 =	vor.u32 s26, v3;
	v7 =	vshll.u32 v7, $0x1  }
0x150: {  	v8 =	vand.u32 $0x7F, v8;
	v7 =	vand.u32 $0xFFFFFF00, v7  }
0x151: {  	v5 =	vmul.u32 $0x2800, v5;
	v7 =	vor.u32 v8, v7;
	_ =	sdelay $0x1  }
0x152: {  	s8 =	sadd.s32 $0x10, s8;
	v5 =	vadd.s32 v5, v6  }
0x153: {  	s29 =	sand.u32 $0x7FFFFFF0, s28;
	s28 =	smov.u32 s26;
	[tilespmem:s8+$0x0] =	vst v4;
	v4 =	vadd.s32 $0x2800, v5  }
0x154: {  	[tilespmem:s29+$0xFC08] =	vst v4  }
0x155: {  	v4 =	vld.idx.msk [tilespmem:v7+s5+$0x0], $0xffff;
	_ =	sdelay $0x4  }
0x156: {  	v6 =	vor.u32 $0x80, v7;
	_ =	sdelay $0x1  }
.Ltmp31:
0x157: {  	(pc) =	sbr.rel @!p3 .LBB2_53-.Ltmp31, $3  }
0x158: {  	v5 =	vld.idx.msk [tilespmem:v4+s1+$0x0], $0xffff;
	_ =	sdelay $0x1  }
0x159: {  	s26 =	sadd.s32 $0x10, s26;
	v6 =	vld.idx.msk [tilespmem:v6+s5+$0x0], $0xffff  }
0x15a: {  	s30 =	sadd.s32 $0xFFFFFFFF, s30;
	v7 =	vmov s26  }
0x15b: {  	s30 =	smov.u32 s28  }
.LBB2_55:
0x15c: {  	v8 =	vor.u32 s26, v3;
	v7 =	vshll.u32 v7, $0x1  }
0x15d: {  	v8 =	vand.u32 $0x7F, v8;
	v7 =	vand.u32 $0xFFFFFF00, v7  }
0x15e: {  	v5 =	vmul.u32 @p4 $0x2800, v5;
	v7 =	vor.u32 v8, v7  }
0x15f: {  	s8 =	sadd.s32 @p5 $0x10, s8;
	s28 =	simm.s32 $0xF208  }
0x160: {  	s28 =	smov.u32 @p5 s8;
	v5 =	vadd.s32 @p4 v5, v6  }
0x161: {  	s8 =	sand.u32 @p4 $0x7FFFFFF0, s30;
	[tilespmem:s28+$0x0] =	vst @p4 v4;
	v4 =	vadd.s32 @p4 $0x2800, v5  }
0x162: {  	[tilespmem:s8+$0xFC08] =	vst @p4 v4  }
0x163: {  	v4 =	vld.idx.msk [tilespmem:v7+s5+$0x0], $0xffff;
	_ =	sdelay $0x4  }
0x164: {  	v5 =	vor.u32 $0x80, v7;
	_ =	sdelay $0x2  }
0x165: {  	v63 =	vld.idx.msk [tilespmem:v4+s1+$0x0], $0xffff;
	_ =	sdelay $0x1  }
0x166: {  	v5 =	vld.idx.msk [tilespmem:v5+s5+$0x0], $0xffff;
	_ =	sdelay $0x2  }
0x167: {  	v6 =	vmul.u32 $0x2800, v63  }
0x168: {  	s8 =	sadd.s32 @p4 $0x10, s28  }
0x169: {  	s25 =	smov.u32 @p4 s8;
	v5 =	vadd.s32 v6, v5  }
0x16a: {  	s31 =	sand.u32 $0x7FFFFFF0, s26;
	[tilespmem:s25+$0x0] =	vst v4;
	v4 =	vadd.s32 $0x2800, v5  }
0x16b: {  	[tilespmem:s31+$0xFC08] =	vst v4  }
0x16c: {  	p3 =	sgt.u32 s20, $0x9F  }
.Ltmp32:
0x16d: {  	_ = 	snop;
	(pc) =	sbr.rel @p3 .LBB2_45-.Ltmp32, $1  }
0x16e: {  	_ =	sdelay $0x3  }
.LBB2_42:
0x16f: {  	s25 =	ssub.s32 $0xA0, s24  }
0x170: {  	p3 =	sne.s32 s25, $0x1  }
.Ltmp33:
0x171: {  	_ = 	snop;
	(pc) =	sbr.rel @!p3 .LBB2_44-.Ltmp33, $4  }
0x172: {  	s8 =	sshll.u32 s24, $0x6  }
0x173: {  	s20 =	sshra.s32 s8, $0x2  }
0x174: {  	s8 =	sshll.u32 s24, $0x4;
	s20 =	sadd.s32 $0xF208, s20  }
0x175: {  	s24 =	sadd.s32 $0xFFFFFFFF, s25;
	s25 =	sand.u32 $0xFFFFFFF0, s8;
	[tilespmem:s20+$0x0] =	vst v0  }
.LBB2_43:
0x176: {  	p3 =	sne.s32 s24, $0x1;
	[tilespmem:s25+$0xFC08] =	vst v0;
	s8 =	sadd.s32 $0x10, s8;
	s20 =	sadd.s32 $0x10, s20  }
.Ltmp34:
0x177: {  	s24 =	sadd.s32 $0xFFFFFFFF, s24;
	(pc) =	sbr.rel @p3 .LBB2_43-.Ltmp34, $2  }
0x178: {  	_ =	sdelay $0x2  }
0x179: {  	s25 =	sand.u32 $0xFFFFFFF0, s8;
	[tilespmem:s20+$0x0] =	vst v0  }
.Ltmp35:
0x17a: {  	_ = 	snop;
	(pc) =	sbr.rel .LBB2_44-.Ltmp35, $1  }
0x17b: {  	_ =	sdelay $0x3  }
.LBB2_30:
.Ltmp36:
0x17c: {  	(pc) =	sbr.rel .LBB2_55-.Ltmp36, $2  }
0x17d: {  	_ =	sdelay $0x2  }
0x17e: {  	s26 =	simm.s32 $0x0;
	s8 =	simm.s32 $0xF208  }
.LBB2_50:
.Ltmp37:
0x17f: {  	(pc) =	sbr.rel .LBB2_55-.Ltmp37, $2  }
0x180: {  	_ =	sdelay $0x2  }
0x181: {  	s26 =	simm.s32 $0x10;
	s8 =	simm.s32 $0xF208  }
.LBB2_52:
.Ltmp38:
0x182: {  	(pc) =	sbr.rel .LBB2_55-.Ltmp38, $2  }
0x183: {  	_ =	sdelay $0x2  }
0x184: {  	s8 =	simm.s32 $0xF208;
	s30 =	simm.s32 $0x10  }
.LBB2_33:
.Ltmp39:
0x185: {  	(pc) =	sbr.rel .LBB2_40-.Ltmp39, $2  }
0x186: {  	_ =	sdelay $0x2  }
0x187: {  	s28 =	simm.s32 $0x0;
	s8 =	simm.s32 $0x10608  }
.LBB2_35:
.Ltmp40:
0x188: {  	(pc) =	sbr.rel .LBB2_40-.Ltmp40, $2  }
0x189: {  	_ =	sdelay $0x2  }
0x18a: {  	s28 =	simm.s32 $0x10;
	s8 =	simm.s32 $0x10608  }
.LBB2_37:
.Ltmp41:
0x18b: {  	(pc) =	sbr.rel .LBB2_40-.Ltmp41, $2  }
0x18c: {  	_ =	sdelay $0x2  }
0x18d: {  	s8 =	simm.s32 $0x10608;
	s31 =	simm.s32 $0x10  }
.LBB2_7:
.Ltmp42:
0x18e: {  	(pc) =	sbr.rel .LBB2_19-.Ltmp42, $2  }
0x18f: {  	_ =	sdelay $0x2  }
0x190: {  	s8 =	rddreg [dreg:$0x17];
	s20 =	smov.u32 s7  }
.LBB2_17:
.Ltmp43:
0x191: {  	(pc) =	sbr.rel .LBB2_19-.Ltmp43, $2  }
0x192: {  	_ =	sdelay $0x2  }
0x193: {  	s8 =	rddreg [dreg:$0x17]  }
.LBB2_48:
0x194: {  	_ =	sfence.sel $0x180000  }
0x195: {  	[bflag:$0x0] =	sbarrier.arrive $0xFFFF  }
0x196: {  	_ =	strace $0x90000047  }
0x197: {  	[bflag:$0x2] =	sbarrier.arrive $0xFFFF  }
0x198: {  	s0 =	rddreg [dreg:$0x5]  }
0x199: {  	s0 =	sadd.s32 @!p1 $0x100000, s0  }
0x19a: {  	[sflag:s0] =	ssyncadd.tile.s32 @!p1 $0x1;
	_ =	shalt  }
.Lfunc_end2:
_tile_overlayer_lowered:
.L_overlay_start_2:
0x19b: {  	(tag) =	ssettag $0x2  }
0x19c: {  	s0 =	rddreg [dreg:$0x0];
	s2 =	stileid.u32  }
0x19d: {  	s1 =	rddreg [dreg:$0x1];
	p0 =	sne.s32 s2, $0x0  }
0x19e: {  	s3 =	rddreg [dreg:$0x2];
	[bflag:$0x3] =	sbarrier.arrive $0xFFFF;
	s2 =	simm.s32 @!p0 $0x1C03  }
0x19f: {  	[timem:s3], [sflag:s2] =	dma.local @!p0 [hbm:s0], s1  }
0x1a0: {  	s0 =	simm.s32 @!p0 $0x3  }
0x1a1: {  	_ =	swait.ge @!p0 [sflag:s0], s1  }
0x1a2: {  	s1 =	ssub.s32 @!p0 $0x0, s1;
	[sflag:s0] =	ssyncset.done @!p0 $0x0  }
0x1a3: {  	[sflag:s0] =	ssyncadd.s32 @!p0 s1  }
0x1a4: {  	[bflag:$0x3] =	sbarrier.arrive $0xFFFF  }
0x1a5: {  	_ =	shalt  }

</sc_bundles>
